<compile_context>
chip_gen: v7x
topology: tpu7x:2x2x1
jax: 0.10.2.dev20260603
libtpu: 0.0.44.dev20260713+nightly
codegen_flags: <defaults>
</compile_context>

<pallas_src>
import functools
import math

import jax
import jax.numpy as jnp
from jax import lax
from jax.experimental import pallas as pl
from jax.experimental.pallas import tpu as pltpu
from jax.experimental.pallas import tpu_sc as plsc

D_MODEL = 128
LANES = 16
CHUNK = 256
GSUB = 256
NBUF = 3


def _emb_kernel(n_rows: int):
    info = plsc.get_sparse_core_info()
    num_workers = info.num_cores * info.num_subcores
    per_worker = n_rows // num_workers
    n_chunks = per_worker // CHUNK
    n_iter = n_chunks // NBUF
    n_tail = n_chunks - n_iter * NBUF
    scale = jnp.float32(math.sqrt(D_MODEL))

    mesh = plsc.VectorSubcoreMesh(core_axis_name="c", subcore_axis_name="s")

    @functools.partial(
        pl.kernel,
        mesh=mesh,
        out_type=jax.ShapeDtypeStruct((n_rows, D_MODEL), jnp.float32),
        scratch_types=[
            pltpu.VMEM((per_worker,), jnp.int32),
        ] + [pltpu.VMEM((CHUNK, D_MODEL), jnp.float32)] * NBUF
          + [pltpu.SemaphoreType.DMA] * (2 * NBUF),
    )
    def k(idx_hbm, table_hbm, out_hbm, idx_all, *bufs_and_sems):
        rows = bufs_and_sems[:NBUF]
        gsem = bufs_and_sems[NBUF:2 * NBUF]
        osem = bufs_and_sems[2 * NBUF:]
        wid = lax.axis_index("s") * info.num_cores + lax.axis_index("c")
        base = wid * per_worker

        pltpu.sync_copy(idx_hbm.at[pl.ds(base, per_worker)], idx_all)

        def start_gather(c, b):
            off = c * CHUNK
            for j in range(CHUNK // GSUB):
                pltpu.async_copy(
                    table_hbm.at[idx_all.at[pl.ds(off + j * GSUB, GSUB)]],
                    rows[b].at[pl.ds(j * GSUB, GSUB)], gsem[b])

        def wait_gather(b):
            for j in range(CHUNK // GSUB):
                pltpu.make_async_copy(
                    table_hbm.at[idx_all.at[pl.ds(j * GSUB, GSUB)]],
                    rows[b].at[pl.ds(j * GSUB, GSUB)], gsem[b]).wait()

        def start_out(c, b):
            pltpu.async_copy(rows[b], out_hbm.at[pl.ds(base + c * CHUNK, CHUNK)],
                             osem[b])

        def wait_out(b):
            pltpu.make_async_copy(rows[b], out_hbm.at[pl.ds(base, CHUNK)],
                                  osem[b]).wait()

        def scale_rows(b):
            def srow(r, carry):
                for j in range(D_MODEL // LANES):
                    sl = pl.ds(j * LANES, LANES)
                    rows[b][r, sl] = rows[b][r, sl] * scale
                return carry
            lax.fori_loop(0, CHUNK, srow, 0, unroll=2)

        def step(c, b):
            bn = (b + 1) % NBUF

            @pl.when(c >= 2)
            def _():
                wait_out(bn)

            @pl.when(c + 1 < n_chunks)
            def _():
                start_gather(c + 1, bn)
            wait_gather(b)
            scale_rows(b)
            start_out(c, b)

        start_gather(0, 0)

        def body(i, carry):
            for b in range(NBUF):
                step(NBUF * i + b, b)
            return carry

        lax.fori_loop(0, n_iter, body, 0, unroll=False)
        for t in range(n_tail):
            c = n_iter * NBUF + t
            step(c, c % NBUF)
        wait_out((n_chunks - 2) % NBUF)
        wait_out((n_chunks - 1) % NBUF)

    return k


def kernel(input_batch, table):
    b, t = input_batch.shape
    n_rows = b * t
    idx = input_batch.reshape(n_rows)
    out = _emb_kernel(n_rows)(idx, table)
    return out.reshape(b, t, D_MODEL)

# --- scband reference (transcript-rebuilt; emitter-appended) ---
"""Pipeline reference for scband-input-layer-87711822119429 (READ-ONLY COPY).

The authoritative reference and input builder live on the scoring server;
editing this copy changes nothing except your own understanding.
"""

import jax, jax.numpy as jnp
import numpy as np
import math

VOCAB = 1000000
D_MODEL = 128

def setup_inputs(seed: int = 0) -> dict:
    key = jax.random.key(seed)
    k1, k2 = jax.random.split(key)
    input_batch = jax.random.randint(k1, (4096, 200), 0, VOCAB, dtype=jnp.int64 if jax.config.jax_enable_x64 else jnp.int32).astype(jnp.int32)
    table = jax.random.normal(k2, (VOCAB, D_MODEL), dtype=jnp.float32)
    return {"input_batch": input_batch, "table": table}

def reference(input_batch, table):
    emb_mult = math.sqrt(D_MODEL)
    out = jnp.take(table, input_batch, axis=0) * emb_mult
    return out

if __name__ == "__main__":
    import jax
    _d = setup_inputs()
    print(jax.jit(kernel)(*tuple(_d.values())))

</pallas_src>

<mosaic_0001>
#map = affine_map<(d0, d1) -> (0)>
#map1 = affine_map<(d0, d1) -> (0, 0)>
module attributes {stable_mosaic.version = 14 : i64} {
  func.func @_rewritten_body(%arg0: i32, %arg1: i32, %arg2: memref<819200xi32, #tpu.memory_space<hbm>>, %arg3: memref<1000000x128xf32, #tpu.memory_space<hbm>>, %arg4: memref<1xf32, #tpu.memory_space<hbm>>, %arg5: memref<819200x128xf32, #tpu.memory_space<hbm>>, %arg6: memref<25600xi32, #tpu.memory_space<vmem>>, %arg7: memref<256x128xf32, #tpu.memory_space<vmem>>, %arg8: memref<256x128xf32, #tpu.memory_space<vmem>>, %arg9: memref<256x128xf32, #tpu.memory_space<vmem>>, %arg10: memref<!tpu.dma_semaphore, #tpu.memory_space<semaphore_mem>>, %arg11: memref<!tpu.dma_semaphore, #tpu.memory_space<semaphore_mem>>, %arg12: memref<!tpu.dma_semaphore, #tpu.memory_space<semaphore_mem>>, %arg13: memref<!tpu.dma_semaphore, #tpu.memory_space<semaphore_mem>>, %arg14: memref<!tpu.dma_semaphore, #tpu.memory_space<semaphore_mem>>, %arg15: memref<!tpu.dma_semaphore, #tpu.memory_space<semaphore_mem>>) attributes {dimension_semantics = [#tpu.dimension_semantics<core_parallel>, #tpu.dimension_semantics<subcore_parallel>], iteration_bounds = array<i64: 2, 16>, scalar_prefetch = 0 : i64, scratch_operands = 10 : i64, tpu.core_type = #tpu.core_type<sc_vector_subcore>, window_params = [{transform_indices = #map}, {transform_indices = #map1}, {transform_indices = #map}, {transform_indices = #map1}]} {
    %empty_ref3A = memref.alloca() : memref<16xf32, #tpu.memory_space<vmem>>
    "tpu.region"() ({
      %run_scoped3A = tpu.sem_alloc : memref<!tpu.dma_semaphore, #tpu.memory_space<semaphore_mem>>
      %dma_start3A_48 = arith.constant 0 : i32
      %dma_start3A_49 = tpu.memref_slice %empty_ref3A[%dma_start3A_48] : memref<16xf32, #tpu.memory_space<vmem>> -> memref<1xf32, #tpu.memory_space<vmem>>
      %dma_start3A_50 = arith.constant 0 : i32
      %dma_start3A_51 = tpu.memref_slice %empty_ref3A[%dma_start3A_50] : memref<16xf32, #tpu.memory_space<vmem>> -> memref<1xf32, #tpu.memory_space<vmem>>
      tpu.enqueue_dma source(%arg4 : memref<1xf32, #tpu.memory_space<hbm>>) target(%dma_start3A_51 : memref<1xf32, #tpu.memory_space<vmem>>) target_semaphore(%run_scoped3A : memref<!tpu.dma_semaphore, #tpu.memory_space<semaphore_mem>>)
      %dma_wait3A_52 = arith.constant 0 : i32
      %dma_wait3A_53 = tpu.memref_slice %empty_ref3A[%dma_wait3A_52] : memref<16xf32, #tpu.memory_space<vmem>> -> memref<1xf32, #tpu.memory_space<vmem>>
      %dma_wait3A_54 = arith.constant 0 : i32
      %dma_wait3A_55 = tpu.memref_slice %empty_ref3A[%dma_wait3A_54] : memref<16xf32, #tpu.memory_space<vmem>> -> memref<1xf32, #tpu.memory_space<vmem>>
      tpu.wait_dma2 semaphore(%run_scoped3A : memref<!tpu.dma_semaphore, #tpu.memory_space<semaphore_mem>>) src(%arg4 : memref<1xf32, #tpu.memory_space<hbm>>) dst(%dma_wait3A_55 : memref<1xf32, #tpu.memory_space<vmem>>)
      tpu.yield
    }) : () -> ()
    %get3A = arith.constant 0 : index
    %get3A_0 = tpu.vector_load %empty_ref3A[%get3A] {strides = array<i32>} : memref<16xf32, #tpu.memory_space<vmem>>, vector<16xf32>,
    %get3A_1 = vector.shape_cast %get3A_0 : vector<16xf32> to vector<16xf32>
    %slice3A = vector.extract_strided_slice %get3A_1 {offsets = [0], sizes = [1], strides = [1]} : vector<16xf32> to vector<1xf32>
    %squeeze3A = vector.extract %slice3A[0] : f32 from vector<1xf32>
    %mul3A = arith.constant 2 : i32
    %mul3A_2 = arith.muli %arg1, %mul3A : i32
    %add3A = arith.addi %mul3A_2, %arg0 : i32
    %mul3A_3 = arith.constant 25600 : i32
    %mul3A_4 = arith.muli %add3A, %mul3A_3 : i32
    "tpu.region"() ({
      %run_scoped3A = tpu.sem_alloc : memref<!tpu.dma_semaphore, #tpu.memory_space<semaphore_mem>>
      %dma_start3A_48 = tpu.memref_slice %arg2[%mul3A_4] : memref<819200xi32, #tpu.memory_space<hbm>> -> memref<25600xi32, #tpu.memory_space<hbm>>
      %dma_start3A_49 = tpu.memref_slice %arg2[%mul3A_4] : memref<819200xi32, #tpu.memory_space<hbm>> -> memref<25600xi32, #tpu.memory_space<hbm>>
      tpu.enqueue_dma source(%dma_start3A_49 : memref<25600xi32, #tpu.memory_space<hbm>>) target(%arg6 : memref<25600xi32, #tpu.memory_space<vmem>>) target_semaphore(%run_scoped3A : memref<!tpu.dma_semaphore, #tpu.memory_space<semaphore_mem>>)
      %dma_wait3A_50 = tpu.memref_slice %arg2[%mul3A_4] : memref<819200xi32, #tpu.memory_space<hbm>> -> memref<25600xi32, #tpu.memory_space<hbm>>
      %dma_wait3A_51 = tpu.memref_slice %arg2[%mul3A_4] : memref<819200xi32, #tpu.memory_space<hbm>> -> memref<25600xi32, #tpu.memory_space<hbm>>
      tpu.wait_dma2 semaphore(%run_scoped3A : memref<!tpu.dma_semaphore, #tpu.memory_space<semaphore_mem>>) src(%dma_wait3A_51 : memref<25600xi32, #tpu.memory_space<hbm>>) dst(%arg6 : memref<25600xi32, #tpu.memory_space<vmem>>)
      tpu.yield
    }) : () -> ()
    %dma_start3A = arith.constant 0 : i32
    %dma_start3A_5 = arith.constant 0 : i32
    %dma_start3A_6 = tpu.memref_slice %arg7[%dma_start3A, %dma_start3A_5] : memref<256x128xf32, #tpu.memory_space<vmem>> -> memref<256x128xf32, #tpu.memory_space<vmem>>
    %dma_start3A_7 = arith.constant 0 : i32
    %dma_start3A_8 = tpu.memref_slice %arg6[%dma_start3A_7] : memref<25600xi32, #tpu.memory_space<vmem>> -> memref<256xi32, #tpu.memory_space<vmem>>
    %dma_start3A_9 = arith.constant 0 : i32
    %dma_start3A_10 = arith.constant 0 : i32
    %dma_start3A_11 = tpu.memref_slice %arg3[%dma_start3A_9, %dma_start3A_10] : memref<1000000x128xf32, #tpu.memory_space<hbm>> -> memref<1000000x128xf32, #tpu.memory_space<hbm>>
    tpu.enqueue_indirect_dma source(%dma_start3A_11 : memref<1000000x128xf32, #tpu.memory_space<hbm>>) target(%dma_start3A_6 : memref<256x128xf32, #tpu.memory_space<vmem>>) offsets(%dma_start3A_8 : memref<256xi32, #tpu.memory_space<vmem>>) semaphore(%arg10 : memref<!tpu.dma_semaphore, #tpu.memory_space<semaphore_mem>>)
    %scan3A = arith.constant 0 : i32
    %scan3A_12 = arith.constant 0 : i32
    %scan3A_13 = arith.constant 33 : i32
    %scan3A_14 = arith.addi %scan3A_12, %scan3A_13 : i32
    %scan3A_15 = arith.constant 1 : i32
    scf.for %scan3A_48 = %scan3A_12 to %scan3A_14 step %scan3A_15  : i32 {
      %mul3A_49 = arith.constant 3 : i32
      %mul3A_50 = arith.muli %mul3A_49, %scan3A_48 : i32
      %add3A_51 = arith.constant 0 : i32
      %add3A_52 = arith.addi %mul3A_50, %add3A_51 : i32
      %ge3A = arith.constant 2 : i32
      %ge3A_53 = arith.cmpi sge, %add3A_52, %ge3A : i32
      %convert_element_type3A = arith.extui %ge3A_53 : i1 to i32
      %cond3A = arith.constant 0 : i32
      %cond3A_54 = arith.cmpi ne, %convert_element_type3A, %cond3A : i32
      scf.if %cond3A_54 {
        %dma_wait3A_156 = arith.constant 0 : i32
        %dma_wait3A_157 = tpu.memref_slice %arg5[%mul3A_4, %dma_wait3A_156] : memref<819200x128xf32, #tpu.memory_space<hbm>> -> memref<256x128xf32, #tpu.memory_space<hbm>>
        %dma_wait3A_158 = arith.constant 0 : i32
        %dma_wait3A_159 = tpu.memref_slice %arg5[%mul3A_4, %dma_wait3A_158] : memref<819200x128xf32, #tpu.memory_space<hbm>> -> memref<256x128xf32, #tpu.memory_space<hbm>>
        tpu.wait_dma2 semaphore(%arg14 : memref<!tpu.dma_semaphore, #tpu.memory_space<semaphore_mem>>) src(%arg8 : memref<256x128xf32, #tpu.memory_space<vmem>>) dst(%dma_wait3A_159 : memref<256x128xf32, #tpu.memory_space<hbm>>)
      } else {
      }
      %add3A_55 = arith.constant 1 : i32
      %add3A_56 = arith.addi %add3A_52, %add3A_55 : i32
      %lt3A = arith.constant 100 : i32
      %lt3A_57 = arith.cmpi slt, %add3A_56, %lt3A : i32
      %convert_element_type3A_58 = arith.extui %lt3A_57 : i1 to i32
      %cond3A_59 = arith.constant 0 : i32
      %cond3A_60 = arith.cmpi ne, %convert_element_type3A_58, %cond3A_59 : i32
      scf.if %cond3A_60 {
        %add3A_156 = arith.constant 1 : i32
        %add3A_157 = arith.addi %add3A_52, %add3A_156 : i32
        %mul3A_158 = arith.constant 256 : i32
        %mul3A_159 = arith.muli %add3A_157, %mul3A_158 : i32
        %add3A_160 = arith.constant 0 : i32
        %add3A_161 = arith.addi %mul3A_159, %add3A_160 : i32
        %dma_start3A_162 = arith.constant 0 : i32
        %dma_start3A_163 = arith.constant 0 : i32
        %dma_start3A_164 = tpu.memref_slice %arg8[%dma_start3A_162, %dma_start3A_163] : memref<256x128xf32, #tpu.memory_space<vmem>> -> memref<256x128xf32, #tpu.memory_space<vmem>>
        %dma_start3A_165 = tpu.memref_slice %arg6[%add3A_161] : memref<25600xi32, #tpu.memory_space<vmem>> -> memref<256xi32, #tpu.memory_space<vmem>>
        %dma_start3A_166 = arith.constant 0 : i32
        %dma_start3A_167 = arith.constant 0 : i32
        %dma_start3A_168 = tpu.memref_slice %arg3[%dma_start3A_166, %dma_start3A_167] : memref<1000000x128xf32, #tpu.memory_space<hbm>> -> memref<1000000x128xf32, #tpu.memory_space<hbm>>
        tpu.enqueue_indirect_dma source(%dma_start3A_168 : memref<1000000x128xf32, #tpu.memory_space<hbm>>) target(%dma_start3A_164 : memref<256x128xf32, #tpu.memory_space<vmem>>) offsets(%dma_start3A_165 : memref<256xi32, #tpu.memory_space<vmem>>) semaphore(%arg11 : memref<!tpu.dma_semaphore, #tpu.memory_space<semaphore_mem>>)
      } else {
      }
      %dma_wait3A_61 = arith.constant 0 : i32
      %dma_wait3A_62 = arith.constant 0 : i32
      %dma_wait3A_63 = tpu.memref_slice %arg7[%dma_wait3A_61, %dma_wait3A_62] : memref<256x128xf32, #tpu.memory_space<vmem>> -> memref<256x128xf32, #tpu.memory_space<vmem>>
      %dma_wait3A_64 = arith.constant 0 : i32
      %dma_wait3A_65 = tpu.memref_slice %arg6[%dma_wait3A_64] : memref<25600xi32, #tpu.memory_space<vmem>> -> memref<256xi32, #tpu.memory_space<vmem>>
      %dma_wait3A_66 = arith.constant 0 : i32
      %dma_wait3A_67 = arith.constant 0 : i32
      %dma_wait3A_68 = tpu.memref_slice %arg3[%dma_wait3A_66, %dma_wait3A_67] : memref<1000000x128xf32, #tpu.memory_space<hbm>> -> memref<1000000x128xf32, #tpu.memory_space<hbm>>
      tpu.wait_indirect_dma semaphore(%arg10 : memref<!tpu.dma_semaphore, #tpu.memory_space<semaphore_mem>>) src(%dma_wait3A_68 : memref<1000000x128xf32, #tpu.memory_space<hbm>>) dst(%dma_wait3A_63 : memref<256x128xf32, #tpu.memory_space<vmem>>)
      %scan3A_69 = arith.constant 0 : i32
      %scan3A_70 = arith.constant 0 : i32
      %scan3A_71 = arith.constant 256 : i32
      %scan3A_72 = arith.addi %scan3A_70, %scan3A_71 : i32
      %scan3A_73 = arith.constant 2 : i32
      scf.for %scan3A_156 = %scan3A_70 to %scan3A_72 step %scan3A_73  : i32 {
        %get3A_157 = arith.index_cast %scan3A_156 : i32 to index
        %get3A_158 = arith.constant 0 : index
        %get3A_159 = tpu.vector_load %arg7[%get3A_157, %get3A_158] {strides = array<i32>} : memref<256x128xf32, #tpu.memory_space<vmem>>, vector<1x16xf32>,
        %get3A_160 = vector.shape_cast %get3A_159 : vector<1x16xf32> to vector<16xf32>
        %mul3A_161 = vector.broadcast %squeeze3A : f32 to vector<16xf32>
        %mul3A_162 = arith.mulf %get3A_160, %mul3A_161 : vector<16xf32>
        %swap3A = arith.index_cast %scan3A_156 : i32 to index
        %swap3A_163 = arith.constant 0 : index
        %swap3A_164 = tpu.vector_load %arg7[%swap3A, %swap3A_163] {strides = array<i32>} : memref<256x128xf32, #tpu.memory_space<vmem>>, vector<1x16xf32>,
        %swap3A_165 = vector.shape_cast %swap3A_164 : vector<1x16xf32> to vector<16xf32>
        %swap3A_166 = vector.shape_cast %mul3A_162 : vector<16xf32> to vector<1x16xf32>
        tpu.vector_store %arg7[%swap3A, %swap3A_163], %swap3A_166 {strides = array<i32>} : memref<256x128xf32, #tpu.memory_space<vmem>>, vector<1x16xf32>,
        %get3A_167 = arith.index_cast %scan3A_156 : i32 to index
        %get3A_168 = arith.constant 16 : index
        %get3A_169 = tpu.vector_load %arg7[%get3A_167, %get3A_168] {strides = array<i32>} : memref<256x128xf32, #tpu.memory_space<vmem>>, vector<1x16xf32>,
        %get3A_170 = vector.shape_cast %get3A_169 : vector<1x16xf32> to vector<16xf32>
        %mul3A_171 = vector.broadcast %squeeze3A : f32 to vector<16xf32>
        %mul3A_172 = arith.mulf %get3A_170, %mul3A_171 : vector<16xf32>
        %swap3A_173 = arith.index_cast %scan3A_156 : i32 to index
        %swap3A_174 = arith.constant 16 : index
        %swap3A_175 = tpu.vector_load %arg7[%swap3A_173, %swap3A_174] {strides = array<i32>} : memref<256x128xf32, #tpu.memory_space<vmem>>, vector<1x16xf32>,
        %swap3A_176 = vector.shape_cast %swap3A_175 : vector<1x16xf32> to vector<16xf32>
        %swap3A_177 = vector.shape_cast %mul3A_172 : vector<16xf32> to vector<1x16xf32>
        tpu.vector_store %arg7[%swap3A_173, %swap3A_174], %swap3A_177 {strides = array<i32>} : memref<256x128xf32, #tpu.memory_space<vmem>>, vector<1x16xf32>,
        %get3A_178 = arith.index_cast %scan3A_156 : i32 to index
        %get3A_179 = arith.constant 32 : index
        %get3A_180 = tpu.vector_load %arg7[%get3A_178, %get3A_179] {strides = array<i32>} : memref<256x128xf32, #tpu.memory_space<vmem>>, vector<1x16xf32>,
        %get3A_181 = vector.shape_cast %get3A_180 : vector<1x16xf32> to vector<16xf32>
        %mul3A_182 = vector.broadcast %squeeze3A : f32 to vector<16xf32>
        %mul3A_183 = arith.mulf %get3A_181, %mul3A_182 : vector<16xf32>
        %swap3A_184 = arith.index_cast %scan3A_156 : i32 to index
        %swap3A_185 = arith.constant 32 : index
        %swap3A_186 = tpu.vector_load %arg7[%swap3A_184, %swap3A_185] {strides = array<i32>} : memref<256x128xf32, #tpu.memory_space<vmem>>, vector<1x16xf32>,
        %swap3A_187 = vector.shape_cast %swap3A_186 : vector<1x16xf32> to vector<16xf32>
        %swap3A_188 = vector.shape_cast %mul3A_183 : vector<16xf32> to vector<1x16xf32>
        tpu.vector_store %arg7[%swap3A_184, %swap3A_185], %swap3A_188 {strides = array<i32>} : memref<256x128xf32, #tpu.memory_space<vmem>>, vector<1x16xf32>,
        %get3A_189 = arith.index_cast %scan3A_156 : i32 to index
        %get3A_190 = arith.constant 48 : index
        %get3A_191 = tpu.vector_load %arg7[%get3A_189, %get3A_190] {strides = array<i32>} : memref<256x128xf32, #tpu.memory_space<vmem>>, vector<1x16xf32>,
        %get3A_192 = vector.shape_cast %get3A_191 : vector<1x16xf32> to vector<16xf32>
        %mul3A_193 = vector.broadcast %squeeze3A : f32 to vector<16xf32>
        %mul3A_194 = arith.mulf %get3A_192, %mul3A_193 : vector<16xf32>
        %swap3A_195 = arith.index_cast %scan3A_156 : i32 to index
        %swap3A_196 = arith.constant 48 : index
        %swap3A_197 = tpu.vector_load %arg7[%swap3A_195, %swap3A_196] {strides = array<i32>} : memref<256x128xf32, #tpu.memory_space<vmem>>, vector<1x16xf32>,
        %swap3A_198 = vector.shape_cast %swap3A_197 : vector<1x16xf32> to vector<16xf32>
        %swap3A_199 = vector.shape_cast %mul3A_194 : vector<16xf32> to vector<1x16xf32>
        tpu.vector_store %arg7[%swap3A_195, %swap3A_196], %swap3A_199 {strides = array<i32>} : memref<256x128xf32, #tpu.memory_space<vmem>>, vector<1x16xf32>,
        %get3A_200 = arith.index_cast %scan3A_156 : i32 to index
        %get3A_201 = arith.constant 64 : index
        %get3A_202 = tpu.vector_load %arg7[%get3A_200, %get3A_201] {strides = array<i32>} : memref<256x128xf32, #tpu.memory_space<vmem>>, vector<1x16xf32>,
        %get3A_203 = vector.shape_cast %get3A_202 : vector<1x16xf32> to vector<16xf32>
        %mul3A_204 = vector.broadcast %squeeze3A : f32 to vector<16xf32>
        %mul3A_205 = arith.mulf %get3A_203, %mul3A_204 : vector<16xf32>
        %swap3A_206 = arith.index_cast %scan3A_156 : i32 to index
        %swap3A_207 = arith.constant 64 : index
        %swap3A_208 = tpu.vector_load %arg7[%swap3A_206, %swap3A_207] {strides = array<i32>} : memref<256x128xf32, #tpu.memory_space<vmem>>, vector<1x16xf32>,
        %swap3A_209 = vector.shape_cast %swap3A_208 : vector<1x16xf32> to vector<16xf32>
        %swap3A_210 = vector.shape_cast %mul3A_205 : vector<16xf32> to vector<1x16xf32>
        tpu.vector_store %arg7[%swap3A_206, %swap3A_207], %swap3A_210 {strides = array<i32>} : memref<256x128xf32, #tpu.memory_space<vmem>>, vector<1x16xf32>,
        %get3A_211 = arith.index_cast %scan3A_156 : i32 to index
        %get3A_212 = arith.constant 80 : index
        %get3A_213 = tpu.vector_load %arg7[%get3A_211, %get3A_212] {strides = array<i32>} : memref<256x128xf32, #tpu.memory_space<vmem>>, vector<1x16xf32>,
        %get3A_214 = vector.shape_cast %get3A_213 : vector<1x16xf32> to vector<16xf32>
        %mul3A_215 = vector.broadcast %squeeze3A : f32 to vector<16xf32>
        %mul3A_216 = arith.mulf %get3A_214, %mul3A_215 : vector<16xf32>
        %swap3A_217 = arith.index_cast %scan3A_156 : i32 to index
        %swap3A_218 = arith.constant 80 : index
        %swap3A_219 = tpu.vector_load %arg7[%swap3A_217, %swap3A_218] {strides = array<i32>} : memref<256x128xf32, #tpu.memory_space<vmem>>, vector<1x16xf32>,
        %swap3A_220 = vector.shape_cast %swap3A_219 : vector<1x16xf32> to vector<16xf32>
        %swap3A_221 = vector.shape_cast %mul3A_216 : vector<16xf32> to vector<1x16xf32>
        tpu.vector_store %arg7[%swap3A_217, %swap3A_218], %swap3A_221 {strides = array<i32>} : memref<256x128xf32, #tpu.memory_space<vmem>>, vector<1x16xf32>,
        %get3A_222 = arith.index_cast %scan3A_156 : i32 to index
        %get3A_223 = arith.constant 96 : index
        %get3A_224 = tpu.vector_load %arg7[%get3A_222, %get3A_223] {strides = array<i32>} : memref<256x128xf32, #tpu.memory_space<vmem>>, vector<1x16xf32>,
        %get3A_225 = vector.shape_cast %get3A_224 : vector<1x16xf32> to vector<16xf32>
        %mul3A_226 = vector.broadcast %squeeze3A : f32 to vector<16xf32>
        %mul3A_227 = arith.mulf %get3A_225, %mul3A_226 : vector<16xf32>
        %swap3A_228 = arith.index_cast %scan3A_156 : i32 to index
        %swap3A_229 = arith.constant 96 : index
        %swap3A_230 = tpu.vector_load %arg7[%swap3A_228, %swap3A_229] {strides = array<i32>} : memref<256x128xf32, #tpu.memory_space<vmem>>, vector<1x16xf32>,
        %swap3A_231 = vector.shape_cast %swap3A_230 : vector<1x16xf32> to vector<16xf32>
        %swap3A_232 = vector.shape_cast %mul3A_227 : vector<16xf32> to vector<1x16xf32>
        tpu.vector_store %arg7[%swap3A_228, %swap3A_229], %swap3A_232 {strides = array<i32>} : memref<256x128xf32, #tpu.memory_space<vmem>>, vector<1x16xf32>,
        %get3A_233 = arith.index_cast %scan3A_156 : i32 to index
        %get3A_234 = arith.constant 112 : index
        %get3A_235 = tpu.vector_load %arg7[%get3A_233, %get3A_234] {strides = array<i32>} : memref<256x128xf32, #tpu.memory_space<vmem>>, vector<1x16xf32>,
        %get3A_236 = vector.shape_cast %get3A_235 : vector<1x16xf32> to vector<16xf32>
        %mul3A_237 = vector.broadcast %squeeze3A : f32 to vector<16xf32>
        %mul3A_238 = arith.mulf %get3A_236, %mul3A_237 : vector<16xf32>
        %swap3A_239 = arith.index_cast %scan3A_156 : i32 to index
        %swap3A_240 = arith.constant 112 : index
        %swap3A_241 = tpu.vector_load %arg7[%swap3A_239, %swap3A_240] {strides = array<i32>} : memref<256x128xf32, #tpu.memory_space<vmem>>, vector<1x16xf32>,
        %swap3A_242 = vector.shape_cast %swap3A_241 : vector<1x16xf32> to vector<16xf32>
        %swap3A_243 = vector.shape_cast %mul3A_238 : vector<16xf32> to vector<1x16xf32>
        tpu.vector_store %arg7[%swap3A_239, %swap3A_240], %swap3A_243 {strides = array<i32>} : memref<256x128xf32, #tpu.memory_space<vmem>>, vector<1x16xf32>,
        %scan3A_244 = arith.constant 1 : i32
        %scan3A_245 = arith.addi %scan3A_156, %scan3A_244 : i32
        %get3A_246 = arith.index_cast %scan3A_245 : i32 to index
        %get3A_247 = arith.constant 0 : index
        %get3A_248 = tpu.vector_load %arg7[%get3A_246, %get3A_247] {strides = array<i32>} : memref<256x128xf32, #tpu.memory_space<vmem>>, vector<1x16xf32>,
        %get3A_249 = vector.shape_cast %get3A_248 : vector<1x16xf32> to vector<16xf32>
        %mul3A_250 = vector.broadcast %squeeze3A : f32 to vector<16xf32>
        %mul3A_251 = arith.mulf %get3A_249, %mul3A_250 : vector<16xf32>
        %swap3A_252 = arith.index_cast %scan3A_245 : i32 to index
        %swap3A_253 = arith.constant 0 : index
        %swap3A_254 = tpu.vector_load %arg7[%swap3A_252, %swap3A_253] {strides = array<i32>} : memref<256x128xf32, #tpu.memory_space<vmem>>, vector<1x16xf32>,
        %swap3A_255 = vector.shape_cast %swap3A_254 : vector<1x16xf32> to vector<16xf32>
        %swap3A_256 = vector.shape_cast %mul3A_251 : vector<16xf32> to vector<1x16xf32>
        tpu.vector_store %arg7[%swap3A_252, %swap3A_253], %swap3A_256 {strides = array<i32>} : memref<256x128xf32, #tpu.memory_space<vmem>>, vector<1x16xf32>,
        %get3A_257 = arith.index_cast %scan3A_245 : i32 to index
        %get3A_258 = arith.constant 16 : index
        %get3A_259 = tpu.vector_load %arg7[%get3A_257, %get3A_258] {strides = array<i32>} : memref<256x128xf32, #tpu.memory_space<vmem>>, vector<1x16xf32>,
        %get3A_260 = vector.shape_cast %get3A_259 : vector<1x16xf32> to vector<16xf32>
        %mul3A_261 = vector.broadcast %squeeze3A : f32 to vector<16xf32>
        %mul3A_262 = arith.mulf %get3A_260, %mul3A_261 : vector<16xf32>
        %swap3A_263 = arith.index_cast %scan3A_245 : i32 to index
        %swap3A_264 = arith.constant 16 : index
        %swap3A_265 = tpu.vector_load %arg7[%swap3A_263, %swap3A_264] {strides = array<i32>} : memref<256x128xf32, #tpu.memory_space<vmem>>, vector<1x16xf32>,
        %swap3A_266 = vector.shape_cast %swap3A_265 : vector<1x16xf32> to vector<16xf32>
        %swap3A_267 = vector.shape_cast %mul3A_262 : vector<16xf32> to vector<1x16xf32>
        tpu.vector_store %arg7[%swap3A_263, %swap3A_264], %swap3A_267 {strides = array<i32>} : memref<256x128xf32, #tpu.memory_space<vmem>>, vector<1x16xf32>,
        %get3A_268 = arith.index_cast %scan3A_245 : i32 to index
        %get3A_269 = arith.constant 32 : index
        %get3A_270 = tpu.vector_load %arg7[%get3A_268, %get3A_269] {strides = array<i32>} : memref<256x128xf32, #tpu.memory_space<vmem>>, vector<1x16xf32>,
        %get3A_271 = vector.shape_cast %get3A_270 : vector<1x16xf32> to vector<16xf32>
        %mul3A_272 = vector.broadcast %squeeze3A : f32 to vector<16xf32>
        %mul3A_273 = arith.mulf %get3A_271, %mul3A_272 : vector<16xf32>
        %swap3A_274 = arith.index_cast %scan3A_245 : i32 to index
        %swap3A_275 = arith.constant 32 : index
        %swap3A_276 = tpu.vector_load %arg7[%swap3A_274, %swap3A_275] {strides = array<i32>} : memref<256x128xf32, #tpu.memory_space<vmem>>, vector<1x16xf32>,
        %swap3A_277 = vector.shape_cast %swap3A_276 : vector<1x16xf32> to vector<16xf32>
        %swap3A_278 = vector.shape_cast %mul3A_273 : vector<16xf32> to vector<1x16xf32>
        tpu.vector_store %arg7[%swap3A_274, %swap3A_275], %swap3A_278 {strides = array<i32>} : memref<256x128xf32, #tpu.memory_space<vmem>>, vector<1x16xf32>,
        %get3A_279 = arith.index_cast %scan3A_245 : i32 to index
        %get3A_280 = arith.constant 48 : index
        %get3A_281 = tpu.vector_load %arg7[%get3A_279, %get3A_280] {strides = array<i32>} : memref<256x128xf32, #tpu.memory_space<vmem>>, vector<1x16xf32>,
        %get3A_282 = vector.shape_cast %get3A_281 : vector<1x16xf32> to vector<16xf32>
        %mul3A_283 = vector.broadcast %squeeze3A : f32 to vector<16xf32>
        %mul3A_284 = arith.mulf %get3A_282, %mul3A_283 : vector<16xf32>
        %swap3A_285 = arith.index_cast %scan3A_245 : i32 to index
        %swap3A_286 = arith.constant 48 : index
        %swap3A_287 = tpu.vector_load %arg7[%swap3A_285, %swap3A_286] {strides = array<i32>} : memref<256x128xf32, #tpu.memory_space<vmem>>, vector<1x16xf32>,
        %swap3A_288 = vector.shape_cast %swap3A_287 : vector<1x16xf32> to vector<16xf32>
        %swap3A_289 = vector.shape_cast %mul3A_284 : vector<16xf32> to vector<1x16xf32>
        tpu.vector_store %arg7[%swap3A_285, %swap3A_286], %swap3A_289 {strides = array<i32>} : memref<256x128xf32, #tpu.memory_space<vmem>>, vector<1x16xf32>,
        %get3A_290 = arith.index_cast %scan3A_245 : i32 to index
        %get3A_291 = arith.constant 64 : index
        %get3A_292 = tpu.vector_load %arg7[%get3A_290, %get3A_291] {strides = array<i32>} : memref<256x128xf32, #tpu.memory_space<vmem>>, vector<1x16xf32>,
        %get3A_293 = vector.shape_cast %get3A_292 : vector<1x16xf32> to vector<16xf32>
        %mul3A_294 = vector.broadcast %squeeze3A : f32 to vector<16xf32>
        %mul3A_295 = arith.mulf %get3A_293, %mul3A_294 : vector<16xf32>
        %swap3A_296 = arith.index_cast %scan3A_245 : i32 to index
        %swap3A_297 = arith.constant 64 : index
        %swap3A_298 = tpu.vector_load %arg7[%swap3A_296, %swap3A_297] {strides = array<i32>} : memref<256x128xf32, #tpu.memory_space<vmem>>, vector<1x16xf32>,
        %swap3A_299 = vector.shape_cast %swap3A_298 : vector<1x16xf32> to vector<16xf32>
        %swap3A_300 = vector.shape_cast %mul3A_295 : vector<16xf32> to vector<1x16xf32>
        tpu.vector_store %arg7[%swap3A_296, %swap3A_297], %swap3A_300 {strides = array<i32>} : memref<256x128xf32, #tpu.memory_space<vmem>>, vector<1x16xf32>,
        %get3A_301 = arith.index_cast %scan3A_245 : i32 to index
        %get3A_302 = arith.constant 80 : index
        %get3A_303 = tpu.vector_load %arg7[%get3A_301, %get3A_302] {strides = array<i32>} : memref<256x128xf32, #tpu.memory_space<vmem>>, vector<1x16xf32>,
        %get3A_304 = vector.shape_cast %get3A_303 : vector<1x16xf32> to vector<16xf32>
        %mul3A_305 = vector.broadcast %squeeze3A : f32 to vector<16xf32>
        %mul3A_306 = arith.mulf %get3A_304, %mul3A_305 : vector<16xf32>
        %swap3A_307 = arith.index_cast %scan3A_245 : i32 to index
        %swap3A_308 = arith.constant 80 : index
        %swap3A_309 = tpu.vector_load %arg7[%swap3A_307, %swap3A_308] {strides = array<i32>} : memref<256x128xf32, #tpu.memory_space<vmem>>, vector<1x16xf32>,
        %swap3A_310 = vector.shape_cast %swap3A_309 : vector<1x16xf32> to vector<16xf32>
        %swap3A_311 = vector.shape_cast %mul3A_306 : vector<16xf32> to vector<1x16xf32>
        tpu.vector_store %arg7[%swap3A_307, %swap3A_308], %swap3A_311 {strides = array<i32>} : memref<256x128xf32, #tpu.memory_space<vmem>>, vector<1x16xf32>,
        %get3A_312 = arith.index_cast %scan3A_245 : i32 to index
        %get3A_313 = arith.constant 96 : index
        %get3A_314 = tpu.vector_load %arg7[%get3A_312, %get3A_313] {strides = array<i32>} : memref<256x128xf32, #tpu.memory_space<vmem>>, vector<1x16xf32>,
        %get3A_315 = vector.shape_cast %get3A_314 : vector<1x16xf32> to vector<16xf32>
        %mul3A_316 = vector.broadcast %squeeze3A : f32 to vector<16xf32>
        %mul3A_317 = arith.mulf %get3A_315, %mul3A_316 : vector<16xf32>
        %swap3A_318 = arith.index_cast %scan3A_245 : i32 to index
        %swap3A_319 = arith.constant 96 : index
        %swap3A_320 = tpu.vector_load %arg7[%swap3A_318, %swap3A_319] {strides = array<i32>} : memref<256x128xf32, #tpu.memory_space<vmem>>, vector<1x16xf32>,
        %swap3A_321 = vector.shape_cast %swap3A_320 : vector<1x16xf32> to vector<16xf32>
        %swap3A_322 = vector.shape_cast %mul3A_317 : vector<16xf32> to vector<1x16xf32>
        tpu.vector_store %arg7[%swap3A_318, %swap3A_319], %swap3A_322 {strides = array<i32>} : memref<256x128xf32, #tpu.memory_space<vmem>>, vector<1x16xf32>,
        %get3A_323 = arith.index_cast %scan3A_245 : i32 to index
        %get3A_324 = arith.constant 112 : index
        %get3A_325 = tpu.vector_load %arg7[%get3A_323, %get3A_324] {strides = array<i32>} : memref<256x128xf32, #tpu.memory_space<vmem>>, vector<1x16xf32>,
        %get3A_326 = vector.shape_cast %get3A_325 : vector<1x16xf32> to vector<16xf32>
        %mul3A_327 = vector.broadcast %squeeze3A : f32 to vector<16xf32>
        %mul3A_328 = arith.mulf %get3A_326, %mul3A_327 : vector<16xf32>
        %swap3A_329 = arith.index_cast %scan3A_245 : i32 to index
        %swap3A_330 = arith.constant 112 : index
        %swap3A_331 = tpu.vector_load %arg7[%swap3A_329, %swap3A_330] {strides = array<i32>} : memref<256x128xf32, #tpu.memory_space<vmem>>, vector<1x16xf32>,
        %swap3A_332 = vector.shape_cast %swap3A_331 : vector<1x16xf32> to vector<16xf32>
        %swap3A_333 = vector.shape_cast %mul3A_328 : vector<16xf32> to vector<1x16xf32>
        tpu.vector_store %arg7[%swap3A_329, %swap3A_330], %swap3A_333 {strides = array<i32>} : memref<256x128xf32, #tpu.memory_space<vmem>>, vector<1x16xf32>,
      }
      %scan3A_74 = arith.constant 256 : i32
      %mul3A_75 = arith.constant 256 : i32
      %mul3A_76 = arith.muli %add3A_52, %mul3A_75 : i32
      %add3A_77 = arith.addi %mul3A_4, %mul3A_76 : i32
      %dma_start3A_78 = arith.constant 0 : i32
      %dma_start3A_79 = tpu.memref_slice %arg5[%add3A_77, %dma_start3A_78] : memref<819200x128xf32, #tpu.memory_space<hbm>> -> memref<256x128xf32, #tpu.memory_space<hbm>>
      %dma_start3A_80 = arith.constant 0 : i32
      %dma_start3A_81 = tpu.memref_slice %arg5[%add3A_77, %dma_start3A_80] : memref<819200x128xf32, #tpu.memory_space<hbm>> -> memref<256x128xf32, #tpu.memory_space<hbm>>
      tpu.enqueue_dma source(%arg7 : memref<256x128xf32, #tpu.memory_space<vmem>>) target(%dma_start3A_81 : memref<256x128xf32, #tpu.memory_space<hbm>>) target_semaphore(%arg13 : memref<!tpu.dma_semaphore, #tpu.memory_space<semaphore_mem>>)
      %mul3A_82 = arith.constant 3 : i32
      %mul3A_83 = arith.muli %mul3A_82, %scan3A_48 : i32
      %add3A_84 = arith.constant 1 : i32
      %add3A_85 = arith.addi %mul3A_83, %add3A_84 : i32
      %ge3A_86 = arith.constant 2 : i32
      %ge3A_87 = arith.cmpi sge, %add3A_85, %ge3A_86 : i32
      %convert_element_type3A_88 = arith.extui %ge3A_87 : i1 to i32
      %cond3A_89 = arith.constant 0 : i32
      %cond3A_90 = arith.cmpi ne, %convert_element_type3A_88, %cond3A_89 : i32
      scf.if %cond3A_90 {
        %dma_wait3A_156 = arith.constant 0 : i32
        %dma_wait3A_157 = tpu.memref_slice %arg5[%mul3A_4, %dma_wait3A_156] : memref<819200x128xf32, #tpu.memory_space<hbm>> -> memref<256x128xf32, #tpu.memory_space<hbm>>
        %dma_wait3A_158 = arith.constant 0 : i32
        %dma_wait3A_159 = tpu.memref_slice %arg5[%mul3A_4, %dma_wait3A_158] : memref<819200x128xf32, #tpu.memory_space<hbm>> -> memref<256x128xf32, #tpu.memory_space<hbm>>
        tpu.wait_dma2 semaphore(%arg15 : memref<!tpu.dma_semaphore, #tpu.memory_space<semaphore_mem>>) src(%arg9 : memref<256x128xf32, #tpu.memory_space<vmem>>) dst(%dma_wait3A_159 : memref<256x128xf32, #tpu.memory_space<hbm>>)
      } else {
      }
      %add3A_91 = arith.constant 1 : i32
      %add3A_92 = arith.addi %add3A_85, %add3A_91 : i32
      %lt3A_93 = arith.constant 100 : i32
      %lt3A_94 = arith.cmpi slt, %add3A_92, %lt3A_93 : i32
      %convert_element_type3A_95 = arith.extui %lt3A_94 : i1 to i32
      %cond3A_96 = arith.constant 0 : i32
      %cond3A_97 = arith.cmpi ne, %convert_element_type3A_95, %cond3A_96 : i32
      scf.if %cond3A_97 {
        %add3A_156 = arith.constant 1 : i32
        %add3A_157 = arith.addi %add3A_85, %add3A_156 : i32
        %mul3A_158 = arith.constant 256 : i32
        %mul3A_159 = arith.muli %add3A_157, %mul3A_158 : i32
        %add3A_160 = arith.constant 0 : i32
        %add3A_161 = arith.addi %mul3A_159, %add3A_160 : i32
        %dma_start3A_162 = arith.constant 0 : i32
        %dma_start3A_163 = arith.constant 0 : i32
        %dma_start3A_164 = tpu.memref_slice %arg9[%dma_start3A_162, %dma_start3A_163] : memref<256x128xf32, #tpu.memory_space<vmem>> -> memref<256x128xf32, #tpu.memory_space<vmem>>
        %dma_start3A_165 = tpu.memref_slice %arg6[%add3A_161] : memref<25600xi32, #tpu.memory_space<vmem>> -> memref<256xi32, #tpu.memory_space<vmem>>
        %dma_start3A_166 = arith.constant 0 : i32
        %dma_start3A_167 = arith.constant 0 : i32
        %dma_start3A_168 = tpu.memref_slice %arg3[%dma_start3A_166, %dma_start3A_167] : memref<1000000x128xf32, #tpu.memory_space<hbm>> -> memref<1000000x128xf32, #tpu.memory_space<hbm>>
        tpu.enqueue_indirect_dma source(%dma_start3A_168 : memref<1000000x128xf32, #tpu.memory_space<hbm>>) target(%dma_start3A_164 : memref<256x128xf32, #tpu.memory_space<vmem>>) offsets(%dma_start3A_165 : memref<256xi32, #tpu.memory_space<vmem>>) semaphore(%arg12 : memref<!tpu.dma_semaphore, #tpu.memory_space<semaphore_mem>>)
      } else {
      }
      %dma_wait3A_98 = arith.constant 0 : i32
      %dma_wait3A_99 = arith.constant 0 : i32
      %dma_wait3A_100 = tpu.memref_slice %arg8[%dma_wait3A_98, %dma_wait3A_99] : memref<256x128xf32, #tpu.memory_space<vmem>> -> memref<256x128xf32, #tpu.memory_space<vmem>>
      %dma_wait3A_101 = arith.constant 0 : i32
      %dma_wait3A_102 = tpu.memref_slice %arg6[%dma_wait3A_101] : memref<25600xi32, #tpu.memory_space<vmem>> -> memref<256xi32, #tpu.memory_space<vmem>>
      %dma_wait3A_103 = arith.constant 0 : i32
      %dma_wait3A_104 = arith.constant 0 : i32
      %dma_wait3A_105 = tpu.memref_slice %arg3[%dma_wait3A_103, %dma_wait3A_104] : memref<1000000x128xf32, #tpu.memory_space<hbm>> -> memref<1000000x128xf32, #tpu.memory_space<hbm>>
      tpu.wait_indirect_dma semaphore(%arg11 : memref<!tpu.dma_semaphore, #tpu.memory_space<semaphore_mem>>) src(%dma_wait3A_105 : memref<1000000x128xf32, #tpu.memory_space<hbm>>) dst(%dma_wait3A_100 : memref<256x128xf32, #tpu.memory_space<vmem>>)
      %scan3A_106 = arith.constant 0 : i32
      %scan3A_107 = arith.constant 0 : i32
      %scan3A_108 = arith.constant 256 : i32
      %scan3A_109 = arith.addi %scan3A_107, %scan3A_108 : i32
      %scan3A_110 = arith.constant 2 : i32
      scf.for %scan3A_156 = %scan3A_107 to %scan3A_109 step %scan3A_110  : i32 {
        %get3A_157 = arith.index_cast %scan3A_156 : i32 to index
        %get3A_158 = arith.constant 0 : index
        %get3A_159 = tpu.vector_load %arg8[%get3A_157, %get3A_158] {strides = array<i32>} : memref<256x128xf32, #tpu.memory_space<vmem>>, vector<1x16xf32>,
        %get3A_160 = vector.shape_cast %get3A_159 : vector<1x16xf32> to vector<16xf32>
        %mul3A_161 = vector.broadcast %squeeze3A : f32 to vector<16xf32>
        %mul3A_162 = arith.mulf %get3A_160, %mul3A_161 : vector<16xf32>
        %swap3A = arith.index_cast %scan3A_156 : i32 to index
        %swap3A_163 = arith.constant 0 : index
        %swap3A_164 = tpu.vector_load %arg8[%swap3A, %swap3A_163] {strides = array<i32>} : memref<256x128xf32, #tpu.memory_space<vmem>>, vector<1x16xf32>,
        %swap3A_165 = vector.shape_cast %swap3A_164 : vector<1x16xf32> to vector<16xf32>
        %swap3A_166 = vector.shape_cast %mul3A_162 : vector<16xf32> to vector<1x16xf32>
        tpu.vector_store %arg8[%swap3A, %swap3A_163], %swap3A_166 {strides = array<i32>} : memref<256x128xf32, #tpu.memory_space<vmem>>, vector<1x16xf32>,
        %get3A_167 = arith.index_cast %scan3A_156 : i32 to index
        %get3A_168 = arith.constant 16 : index
        %get3A_169 = tpu.vector_load %arg8[%get3A_167, %get3A_168] {strides = array<i32>} : memref<256x128xf32, #tpu.memory_space<vmem>>, vector<1x16xf32>,
        %get3A_170 = vector.shape_cast %get3A_169 : vector<1x16xf32> to vector<16xf32>
        %mul3A_171 = vector.broadcast %squeeze3A : f32 to vector<16xf32>
        %mul3A_172 = arith.mulf %get3A_170, %mul3A_171 : vector<16xf32>
        %swap3A_173 = arith.index_cast %scan3A_156 : i32 to index
        %swap3A_174 = arith.constant 16 : index
        %swap3A_175 = tpu.vector_load %arg8[%swap3A_173, %swap3A_174] {strides = array<i32>} : memref<256x128xf32, #tpu.memory_space<vmem>>, vector<1x16xf32>,
        %swap3A_176 = vector.shape_cast %swap3A_175 : vector<1x16xf32> to vector<16xf32>
        %swap3A_177 = vector.shape_cast %mul3A_172 : vector<16xf32> to vector<1x16xf32>
        tpu.vector_store %arg8[%swap3A_173, %swap3A_174], %swap3A_177 {strides = array<i32>} : memref<256x128xf32, #tpu.memory_space<vmem>>, vector<1x16xf32>,
        %get3A_178 = arith.index_cast %scan3A_156 : i32 to index
        %get3A_179 = arith.constant 32 : index
        %get3A_180 = tpu.vector_load %arg8[%get3A_178, %get3A_179] {strides = array<i32>} : memref<256x128xf32, #tpu.memory_space<vmem>>, vector<1x16xf32>,
        %get3A_181 = vector.shape_cast %get3A_180 : vector<1x16xf32> to vector<16xf32>
        %mul3A_182 = vector.broadcast %squeeze3A : f32 to vector<16xf32>
        %mul3A_183 = arith.mulf %get3A_181, %mul3A_182 : vector<16xf32>
        %swap3A_184 = arith.index_cast %scan3A_156 : i32 to index
        %swap3A_185 = arith.constant 32 : index
        %swap3A_186 = tpu.vector_load %arg8[%swap3A_184, %swap3A_185] {strides = array<i32>} : memref<256x128xf32, #tpu.memory_space<vmem>>, vector<1x16xf32>,
        %swap3A_187 = vector.shape_cast %swap3A_186 : vector<1x16xf32> to vector<16xf32>
        %swap3A_188 = vector.shape_cast %mul3A_183 : vector<16xf32> to vector<1x16xf32>
        tpu.vector_store %arg8[%swap3A_184, %swap3A_185], %swap3A_188 {strides = array<i32>} : memref<256x128xf32, #tpu.memory_space<vmem>>, vector<1x16xf32>,
        %get3A_189 = arith.index_cast %scan3A_156 : i32 to index
        %get3A_190 = arith.constant 48 : index
        %get3A_191 = tpu.vector_load %arg8[%get3A_189, %get3A_190] {strides = array<i32>} : memref<256x128xf32, #tpu.memory_space<vmem>>, vector<1x16xf32>,
        %get3A_192 = vector.shape_cast %get3A_191 : vector<1x16xf32> to vector<16xf32>
        %mul3A_193 = vector.broadcast %squeeze3A : f32 to vector<16xf32>
        %mul3A_194 = arith.mulf %get3A_192, %mul3A_193 : vector<16xf32>
        %swap3A_195 = arith.index_cast %scan3A_156 : i32 to index
        %swap3A_196 = arith.constant 48 : index
        %swap3A_197 = tpu.vector_load %arg8[%swap3A_195, %swap3A_196] {strides = array<i32>} : memref<256x128xf32, #tpu.memory_space<vmem>>, vector<1x16xf32>,
        %swap3A_198 = vector.shape_cast %swap3A_197 : vector<1x16xf32> to vector<16xf32>
        %swap3A_199 = vector.shape_cast %mul3A_194 : vector<16xf32> to vector<1x16xf32>
        tpu.vector_store %arg8[%swap3A_195, %swap3A_196], %swap3A_199 {strides = array<i32>} : memref<256x128xf32, #tpu.memory_space<vmem>>, vector<1x16xf32>,
        %get3A_200 = arith.index_cast %scan3A_156 : i32 to index
        %get3A_201 = arith.constant 64 : index
        %get3A_202 = tpu.vector_load %arg8[%get3A_200, %get3A_201] {strides = array<i32>} : memref<256x128xf32, #tpu.memory_space<vmem>>, vector<1x16xf32>,
        %get3A_203 = vector.shape_cast %get3A_202 : vector<1x16xf32> to vector<16xf32>
        %mul3A_204 = vector.broadcast %squeeze3A : f32 to vector<16xf32>
        %mul3A_205 = arith.mulf %get3A_203, %mul3A_204 : vector<16xf32>
        %swap3A_206 = arith.index_cast %scan3A_156 : i32 to index
        %swap3A_207 = arith.constant 64 : index
        %swap3A_208 = tpu.vector_load %arg8[%swap3A_206, %swap3A_207] {strides = array<i32>} : memref<256x128xf32, #tpu.memory_space<vmem>>, vector<1x16xf32>,
        %swap3A_209 = vector.shape_cast %swap3A_208 : vector<1x16xf32> to vector<16xf32>
        %swap3A_210 = vector.shape_cast %mul3A_205 : vector<16xf32> to vector<1x16xf32>
        tpu.vector_store %arg8[%swap3A_206, %swap3A_207], %swap3A_210 {strides = array<i32>} : memref<256x128xf32, #tpu.memory_space<vmem>>, vector<1x16xf32>,
        %get3A_211 = arith.index_cast %scan3A_156 : i32 to index
        %get3A_212 = arith.constant 80 : index
        %get3A_213 = tpu.vector_load %arg8[%get3A_211, %get3A_212] {strides = array<i32>} : memref<256x128xf32, #tpu.memory_space<vmem>>, vector<1x16xf32>,
        %get3A_214 = vector.shape_cast %get3A_213 : vector<1x16xf32> to vector<16xf32>
        %mul3A_215 = vector.broadcast %squeeze3A : f32 to vector<16xf32>
        %mul3A_216 = arith.mulf %get3A_214, %mul3A_215 : vector<16xf32>
        %swap3A_217 = arith.index_cast %scan3A_156 : i32 to index
        %swap3A_218 = arith.constant 80 : index
        %swap3A_219 = tpu.vector_load %arg8[%swap3A_217, %swap3A_218] {strides = array<i32>} : memref<256x128xf32, #tpu.memory_space<vmem>>, vector<1x16xf32>,
        %swap3A_220 = vector.shape_cast %swap3A_219 : vector<1x16xf32> to vector<16xf32>
        %swap3A_221 = vector.shape_cast %mul3A_216 : vector<16xf32> to vector<1x16xf32>
        tpu.vector_store %arg8[%swap3A_217, %swap3A_218], %swap3A_221 {strides = array<i32>} : memref<256x128xf32, #tpu.memory_space<vmem>>, vector<1x16xf32>,
        %get3A_222 = arith.index_cast %scan3A_156 : i32 to index
        %get3A_223 = arith.constant 96 : index
        %get3A_224 = tpu.vector_load %arg8[%get3A_222, %get3A_223] {strides = array<i32>} : memref<256x128xf32, #tpu.memory_space<vmem>>, vector<1x16xf32>,
        %get3A_225 = vector.shape_cast %get3A_224 : vector<1x16xf32> to vector<16xf32>
        %mul3A_226 = vector.broadcast %squeeze3A : f32 to vector<16xf32>
        %mul3A_227 = arith.mulf %get3A_225, %mul3A_226 : vector<16xf32>
        %swap3A_228 = arith.index_cast %scan3A_156 : i32 to index
        %swap3A_229 = arith.constant 96 : index
        %swap3A_230 = tpu.vector_load %arg8[%swap3A_228, %swap3A_229] {strides = array<i32>} : memref<256x128xf32, #tpu.memory_space<vmem>>, vector<1x16xf32>,
        %swap3A_231 = vector.shape_cast %swap3A_230 : vector<1x16xf32> to vector<16xf32>
        %swap3A_232 = vector.shape_cast %mul3A_227 : vector<16xf32> to vector<1x16xf32>
        tpu.vector_store %arg8[%swap3A_228, %swap3A_229], %swap3A_232 {strides = array<i32>} : memref<256x128xf32, #tpu.memory_space<vmem>>, vector<1x16xf32>,
        %get3A_233 = arith.index_cast %scan3A_156 : i32 to index
        %get3A_234 = arith.constant 112 : index
        %get3A_235 = tpu.vector_load %arg8[%get3A_233, %get3A_234] {strides = array<i32>} : memref<256x128xf32, #tpu.memory_space<vmem>>, vector<1x16xf32>,
        %get3A_236 = vector.shape_cast %get3A_235 : vector<1x16xf32> to vector<16xf32>
        %mul3A_237 = vector.broadcast %squeeze3A : f32 to vector<16xf32>
        %mul3A_238 = arith.mulf %get3A_236, %mul3A_237 : vector<16xf32>
        %swap3A_239 = arith.index_cast %scan3A_156 : i32 to index
        %swap3A_240 = arith.constant 112 : index
        %swap3A_241 = tpu.vector_load %arg8[%swap3A_239, %swap3A_240] {strides = array<i32>} : memref<256x128xf32, #tpu.memory_space<vmem>>, vector<1x16xf32>,
        %swap3A_242 = vector.shape_cast %swap3A_241 : vector<1x16xf32> to vector<16xf32>
        %swap3A_243 = vector.shape_cast %mul3A_238 : vector<16xf32> to vector<1x16xf32>
        tpu.vector_store %arg8[%swap3A_239, %swap3A_240], %swap3A_243 {strides = array<i32>} : memref<256x128xf32, #tpu.memory_space<vmem>>, vector<1x16xf32>,
        %scan3A_244 = arith.constant 1 : i32
        %scan3A_245 = arith.addi %scan3A_156, %scan3A_244 : i32
        %get3A_246 = arith.index_cast %scan3A_245 : i32 to index
        %get3A_247 = arith.constant 0 : index
        %get3A_248 = tpu.vector_load %arg8[%get3A_246, %get3A_247] {strides = array<i32>} : memref<256x128xf32, #tpu.memory_space<vmem>>, vector<1x16xf32>,
        %get3A_249 = vector.shape_cast %get3A_248 : vector<1x16xf32> to vector<16xf32>
        %mul3A_250 = vector.broadcast %squeeze3A : f32 to vector<16xf32>
        %mul3A_251 = arith.mulf %get3A_249, %mul3A_250 : vector<16xf32>
        %swap3A_252 = arith.index_cast %scan3A_245 : i32 to index
        %swap3A_253 = arith.constant 0 : index
        %swap3A_254 = tpu.vector_load %arg8[%swap3A_252, %swap3A_253] {strides = array<i32>} : memref<256x128xf32, #tpu.memory_space<vmem>>, vector<1x16xf32>,
        %swap3A_255 = vector.shape_cast %swap3A_254 : vector<1x16xf32> to vector<16xf32>
        %swap3A_256 = vector.shape_cast %mul3A_251 : vector<16xf32> to vector<1x16xf32>
        tpu.vector_store %arg8[%swap3A_252, %swap3A_253], %swap3A_256 {strides = array<i32>} : memref<256x128xf32, #tpu.memory_space<vmem>>, vector<1x16xf32>,
        %get3A_257 = arith.index_cast %scan3A_245 : i32 to index
        %get3A_258 = arith.constant 16 : index
        %get3A_259 = tpu.vector_load %arg8[%get3A_257, %get3A_258] {strides = array<i32>} : memref<256x128xf32, #tpu.memory_space<vmem>>, vector<1x16xf32>,
        %get3A_260 = vector.shape_cast %get3A_259 : vector<1x16xf32> to vector<16xf32>
        %mul3A_261 = vector.broadcast %squeeze3A : f32 to vector<16xf32>
        %mul3A_262 = arith.mulf %get3A_260, %mul3A_261 : vector<16xf32>
        %swap3A_263 = arith.index_cast %scan3A_245 : i32 to index
        %swap3A_264 = arith.constant 16 : index
        %swap3A_265 = tpu.vector_load %arg8[%swap3A_263, %swap3A_264] {strides = array<i32>} : memref<256x128xf32, #tpu.memory_space<vmem>>, vector<1x16xf32>,
        %swap3A_266 = vector.shape_cast %swap3A_265 : vector<1x16xf32> to vector<16xf32>
        %swap3A_267 = vector.shape_cast %mul3A_262 : vector<16xf32> to vector<1x16xf32>
        tpu.vector_store %arg8[%swap3A_263, %swap3A_264], %swap3A_267 {strides = array<i32>} : memref<256x128xf32, #tpu.memory_space<vmem>>, vector<1x16xf32>,
        %get3A_268 = arith.index_cast %scan3A_245 : i32 to index
        %get3A_269 = arith.constant 32 : index
        %get3A_270 = tpu.vector_load %arg8[%get3A_268, %get3A_269] {strides = array<i32>} : memref<256x128xf32, #tpu.memory_space<vmem>>, vector<1x16xf32>,
        %get3A_271 = vector.shape_cast %get3A_270 : vector<1x16xf32> to vector<16xf32>
        %mul3A_272 = vector.broadcast %squeeze3A : f32 to vector<16xf32>
        %mul3A_273 = arith.mulf %get3A_271, %mul3A_272 : vector<16xf32>
        %swap3A_274 = arith.index_cast %scan3A_245 : i32 to index
        %swap3A_275 = arith.constant 32 : index
        %swap3A_276 = tpu.vector_load %arg8[%swap3A_274, %swap3A_275] {strides = array<i32>} : memref<256x128xf32, #tpu.memory_space<vmem>>, vector<1x16xf32>,
        %swap3A_277 = vector.shape_cast %swap3A_276 : vector<1x16xf32> to vector<16xf32>
        %swap3A_278 = vector.shape_cast %mul3A_273 : vector<16xf32> to vector<1x16xf32>
        tpu.vector_store %arg8[%swap3A_274, %swap3A_275], %swap3A_278 {strides = array<i32>} : memref<256x128xf32, #tpu.memory_space<vmem>>, vector<1x16xf32>,
        %get3A_279 = arith.index_cast %scan3A_245 : i32 to index
        %get3A_280 = arith.constant 48 : index
        %get3A_281 = tpu.vector_load %arg8[%get3A_279, %get3A_280] {strides = array<i32>} : memref<256x128xf32, #tpu.memory_space<vmem>>, vector<1x16xf32>,
        %get3A_282 = vector.shape_cast %get3A_281 : vector<1x16xf32> to vector<16xf32>
        %mul3A_283 = vector.broadcast %squeeze3A : f32 to vector<16xf32>
        %mul3A_284 = arith.mulf %get3A_282, %mul3A_283 : vector<16xf32>
        %swap3A_285 = arith.index_cast %scan3A_245 : i32 to index
        %swap3A_286 = arith.constant 48 : index
        %swap3A_287 = tpu.vector_load %arg8[%swap3A_285, %swap3A_286] {strides = array<i32>} : memref<256x128xf32, #tpu.memory_space<vmem>>, vector<1x16xf32>,
        %swap3A_288 = vector.shape_cast %swap3A_287 : vector<1x16xf32> to vector<16xf32>
        %swap3A_289 = vector.shape_cast %mul3A_284 : vector<16xf32> to vector<1x16xf32>
        tpu.vector_store %arg8[%swap3A_285, %swap3A_286], %swap3A_289 {strides = array<i32>} : memref<256x128xf32, #tpu.memory_space<vmem>>, vector<1x16xf32>,
        %get3A_290 = arith.index_cast %scan3A_245 : i32 to index
        %get3A_291 = arith.constant 64 : index
        %get3A_292 = tpu.vector_load %arg8[%get3A_290, %get3A_291] {strides = array<i32>} : memref<256x128xf32, #tpu.memory_space<vmem>>, vector<1x16xf32>,
        %get3A_293 = vector.shape_cast %get3A_292 : vector<1x16xf32> to vector<16xf32>
        %mul3A_294 = vector.broadcast %squeeze3A : f32 to vector<16xf32>
        %mul3A_295 = arith.mulf %get3A_293, %mul3A_294 : vector<16xf32>
        %swap3A_296 = arith.index_cast %scan3A_245 : i32 to index
        %swap3A_297 = arith.constant 64 : index
        %swap3A_298 = tpu.vector_load %arg8[%swap3A_296, %swap3A_297] {strides = array<i32>} : memref<256x128xf32, #tpu.memory_space<vmem>>, vector<1x16xf32>,
        %swap3A_299 = vector.shape_cast %swap3A_298 : vector<1x16xf32> to vector<16xf32>
        %swap3A_300 = vector.shape_cast %mul3A_295 : vector<16xf32> to vector<1x16xf32>
        tpu.vector_store %arg8[%swap3A_296, %swap3A_297], %swap3A_300 {strides = array<i32>} : memref<256x128xf32, #tpu.memory_space<vmem>>, vector<1x16xf32>,
        %get3A_301 = arith.index_cast %scan3A_245 : i32 to index
        %get3A_302 = arith.constant 80 : index
        %get3A_303 = tpu.vector_load %arg8[%get3A_301, %get3A_302] {strides = array<i32>} : memref<256x128xf32, #tpu.memory_space<vmem>>, vector<1x16xf32>,
        %get3A_304 = vector.shape_cast %get3A_303 : vector<1x16xf32> to vector<16xf32>
        %mul3A_305 = vector.broadcast %squeeze3A : f32 to vector<16xf32>
        %mul3A_306 = arith.mulf %get3A_304, %mul3A_305 : vector<16xf32>
        %swap3A_307 = arith.index_cast %scan3A_245 : i32 to index
        %swap3A_308 = arith.constant 80 : index
        %swap3A_309 = tpu.vector_load %arg8[%swap3A_307, %swap3A_308] {strides = array<i32>} : memref<256x128xf32, #tpu.memory_space<vmem>>, vector<1x16xf32>,
        %swap3A_310 = vector.shape_cast %swap3A_309 : vector<1x16xf32> to vector<16xf32>
        %swap3A_311 = vector.shape_cast %mul3A_306 : vector<16xf32> to vector<1x16xf32>
        tpu.vector_store %arg8[%swap3A_307, %swap3A_308], %swap3A_311 {strides = array<i32>} : memref<256x128xf32, #tpu.memory_space<vmem>>, vector<1x16xf32>,
        %get3A_312 = arith.index_cast %scan3A_245 : i32 to index
        %get3A_313 = arith.constant 96 : index
        %get3A_314 = tpu.vector_load %arg8[%get3A_312, %get3A_313] {strides = array<i32>} : memref<256x128xf32, #tpu.memory_space<vmem>>, vector<1x16xf32>,
        %get3A_315 = vector.shape_cast %get3A_314 : vector<1x16xf32> to vector<16xf32>
        %mul3A_316 = vector.broadcast %squeeze3A : f32 to vector<16xf32>
        %mul3A_317 = arith.mulf %get3A_315, %mul3A_316 : vector<16xf32>
        %swap3A_318 = arith.index_cast %scan3A_245 : i32 to index
        %swap3A_319 = arith.constant 96 : index
        %swap3A_320 = tpu.vector_load %arg8[%swap3A_318, %swap3A_319] {strides = array<i32>} : memref<256x128xf32, #tpu.memory_space<vmem>>, vector<1x16xf32>,
        %swap3A_321 = vector.shape_cast %swap3A_320 : vector<1x16xf32> to vector<16xf32>
        %swap3A_322 = vector.shape_cast %mul3A_317 : vector<16xf32> to vector<1x16xf32>
        tpu.vector_store %arg8[%swap3A_318, %swap3A_319], %swap3A_322 {strides = array<i32>} : memref<256x128xf32, #tpu.memory_space<vmem>>, vector<1x16xf32>,
        %get3A_323 = arith.index_cast %scan3A_245 : i32 to index
        %get3A_324 = arith.constant 112 : index
        %get3A_325 = tpu.vector_load %arg8[%get3A_323, %get3A_324] {strides = array<i32>} : memref<256x128xf32, #tpu.memory_space<vmem>>, vector<1x16xf32>,
        %get3A_326 = vector.shape_cast %get3A_325 : vector<1x16xf32> to vector<16xf32>
        %mul3A_327 = vector.broadcast %squeeze3A : f32 to vector<16xf32>
        %mul3A_328 = arith.mulf %get3A_326, %mul3A_327 : vector<16xf32>
        %swap3A_329 = arith.index_cast %scan3A_245 : i32 to index
        %swap3A_330 = arith.constant 112 : index
        %swap3A_331 = tpu.vector_load %arg8[%swap3A_329, %swap3A_330] {strides = array<i32>} : memref<256x128xf32, #tpu.memory_space<vmem>>, vector<1x16xf32>,
        %swap3A_332 = vector.shape_cast %swap3A_331 : vector<1x16xf32> to vector<16xf32>
        %swap3A_333 = vector.shape_cast %mul3A_328 : vector<16xf32> to vector<1x16xf32>
        tpu.vector_store %arg8[%swap3A_329, %swap3A_330], %swap3A_333 {strides = array<i32>} : memref<256x128xf32, #tpu.memory_space<vmem>>, vector<1x16xf32>,
      }
      %scan3A_111 = arith.constant 256 : i32
      %mul3A_112 = arith.constant 256 : i32
      %mul3A_113 = arith.muli %add3A_85, %mul3A_112 : i32
      %add3A_114 = arith.addi %mul3A_4, %mul3A_113 : i32
      %dma_start3A_115 = arith.constant 0 : i32
      %dma_start3A_116 = tpu.memref_slice %arg5[%add3A_114, %dma_start3A_115] : memref<819200x128xf32, #tpu.memory_space<hbm>> -> memref<256x128xf32, #tpu.memory_space<hbm>>
      %dma_start3A_117 = arith.constant 0 : i32
      %dma_start3A_118 = tpu.memref_slice %arg5[%add3A_114, %dma_start3A_117] : memref<819200x128xf32, #tpu.memory_space<hbm>> -> memref<256x128xf32, #tpu.memory_space<hbm>>
      tpu.enqueue_dma source(%arg8 : memref<256x128xf32, #tpu.memory_space<vmem>>) target(%dma_start3A_118 : memref<256x128xf32, #tpu.memory_space<hbm>>) target_semaphore(%arg14 : memref<!tpu.dma_semaphore, #tpu.memory_space<semaphore_mem>>)
      %mul3A_119 = arith.constant 3 : i32
      %mul3A_120 = arith.muli %mul3A_119, %scan3A_48 : i32
      %add3A_121 = arith.constant 2 : i32
      %add3A_122 = arith.addi %mul3A_120, %add3A_121 : i32
      %ge3A_123 = arith.constant 2 : i32
      %ge3A_124 = arith.cmpi sge, %add3A_122, %ge3A_123 : i32
      %convert_element_type3A_125 = arith.extui %ge3A_124 : i1 to i32
      %cond3A_126 = arith.constant 0 : i32
      %cond3A_127 = arith.cmpi ne, %convert_element_type3A_125, %cond3A_126 : i32
      scf.if %cond3A_127 {
        %dma_wait3A_156 = arith.constant 0 : i32
        %dma_wait3A_157 = tpu.memref_slice %arg5[%mul3A_4, %dma_wait3A_156] : memref<819200x128xf32, #tpu.memory_space<hbm>> -> memref<256x128xf32, #tpu.memory_space<hbm>>
        %dma_wait3A_158 = arith.constant 0 : i32
        %dma_wait3A_159 = tpu.memref_slice %arg5[%mul3A_4, %dma_wait3A_158] : memref<819200x128xf32, #tpu.memory_space<hbm>> -> memref<256x128xf32, #tpu.memory_space<hbm>>
        tpu.wait_dma2 semaphore(%arg13 : memref<!tpu.dma_semaphore, #tpu.memory_space<semaphore_mem>>) src(%arg7 : memref<256x128xf32, #tpu.memory_space<vmem>>) dst(%dma_wait3A_159 : memref<256x128xf32, #tpu.memory_space<hbm>>)
      } else {
      }
      %add3A_128 = arith.constant 1 : i32
      %add3A_129 = arith.addi %add3A_122, %add3A_128 : i32
      %lt3A_130 = arith.constant 100 : i32
      %lt3A_131 = arith.cmpi slt, %add3A_129, %lt3A_130 : i32
      %convert_element_type3A_132 = arith.extui %lt3A_131 : i1 to i32
      %cond3A_133 = arith.constant 0 : i32
      %cond3A_134 = arith.cmpi ne, %convert_element_type3A_132, %cond3A_133 : i32
      scf.if %cond3A_134 {
        %add3A_156 = arith.constant 1 : i32
        %add3A_157 = arith.addi %add3A_122, %add3A_156 : i32
        %mul3A_158 = arith.constant 256 : i32
        %mul3A_159 = arith.muli %add3A_157, %mul3A_158 : i32
        %add3A_160 = arith.constant 0 : i32
        %add3A_161 = arith.addi %mul3A_159, %add3A_160 : i32
        %dma_start3A_162 = arith.constant 0 : i32
        %dma_start3A_163 = arith.constant 0 : i32
        %dma_start3A_164 = tpu.memref_slice %arg7[%dma_start3A_162, %dma_start3A_163] : memref<256x128xf32, #tpu.memory_space<vmem>> -> memref<256x128xf32, #tpu.memory_space<vmem>>
        %dma_start3A_165 = tpu.memref_slice %arg6[%add3A_161] : memref<25600xi32, #tpu.memory_space<vmem>> -> memref<256xi32, #tpu.memory_space<vmem>>
        %dma_start3A_166 = arith.constant 0 : i32
        %dma_start3A_167 = arith.constant 0 : i32
        %dma_start3A_168 = tpu.memref_slice %arg3[%dma_start3A_166, %dma_start3A_167] : memref<1000000x128xf32, #tpu.memory_space<hbm>> -> memref<1000000x128xf32, #tpu.memory_space<hbm>>
        tpu.enqueue_indirect_dma source(%dma_start3A_168 : memref<1000000x128xf32, #tpu.memory_space<hbm>>) target(%dma_start3A_164 : memref<256x128xf32, #tpu.memory_space<vmem>>) offsets(%dma_start3A_165 : memref<256xi32, #tpu.memory_space<vmem>>) semaphore(%arg10 : memref<!tpu.dma_semaphore, #tpu.memory_space<semaphore_mem>>)
      } else {
      }
      %dma_wait3A_135 = arith.constant 0 : i32
      %dma_wait3A_136 = arith.constant 0 : i32
      %dma_wait3A_137 = tpu.memref_slice %arg9[%dma_wait3A_135, %dma_wait3A_136] : memref<256x128xf32, #tpu.memory_space<vmem>> -> memref<256x128xf32, #tpu.memory_space<vmem>>
      %dma_wait3A_138 = arith.constant 0 : i32
      %dma_wait3A_139 = tpu.memref_slice %arg6[%dma_wait3A_138] : memref<25600xi32, #tpu.memory_space<vmem>> -> memref<256xi32, #tpu.memory_space<vmem>>
      %dma_wait3A_140 = arith.constant 0 : i32
      %dma_wait3A_141 = arith.constant 0 : i32
      %dma_wait3A_142 = tpu.memref_slice %arg3[%dma_wait3A_140, %dma_wait3A_141] : memref<1000000x128xf32, #tpu.memory_space<hbm>> -> memref<1000000x128xf32, #tpu.memory_space<hbm>>
      tpu.wait_indirect_dma semaphore(%arg12 : memref<!tpu.dma_semaphore, #tpu.memory_space<semaphore_mem>>) src(%dma_wait3A_142 : memref<1000000x128xf32, #tpu.memory_space<hbm>>) dst(%dma_wait3A_137 : memref<256x128xf32, #tpu.memory_space<vmem>>)
      %scan3A_143 = arith.constant 0 : i32
      %scan3A_144 = arith.constant 0 : i32
      %scan3A_145 = arith.constant 256 : i32
      %scan3A_146 = arith.addi %scan3A_144, %scan3A_145 : i32
      %scan3A_147 = arith.constant 2 : i32
      scf.for %scan3A_156 = %scan3A_144 to %scan3A_146 step %scan3A_147  : i32 {
        %get3A_157 = arith.index_cast %scan3A_156 : i32 to index
        %get3A_158 = arith.constant 0 : index
        %get3A_159 = tpu.vector_load %arg9[%get3A_157, %get3A_158] {strides = array<i32>} : memref<256x128xf32, #tpu.memory_space<vmem>>, vector<1x16xf32>,
        %get3A_160 = vector.shape_cast %get3A_159 : vector<1x16xf32> to vector<16xf32>
        %mul3A_161 = vector.broadcast %squeeze3A : f32 to vector<16xf32>
        %mul3A_162 = arith.mulf %get3A_160, %mul3A_161 : vector<16xf32>
        %swap3A = arith.index_cast %scan3A_156 : i32 to index
        %swap3A_163 = arith.constant 0 : index
        %swap3A_164 = tpu.vector_load %arg9[%swap3A, %swap3A_163] {strides = array<i32>} : memref<256x128xf32, #tpu.memory_space<vmem>>, vector<1x16xf32>,
        %swap3A_165 = vector.shape_cast %swap3A_164 : vector<1x16xf32> to vector<16xf32>
        %swap3A_166 = vector.shape_cast %mul3A_162 : vector<16xf32> to vector<1x16xf32>
        tpu.vector_store %arg9[%swap3A, %swap3A_163], %swap3A_166 {strides = array<i32>} : memref<256x128xf32, #tpu.memory_space<vmem>>, vector<1x16xf32>,
        %get3A_167 = arith.index_cast %scan3A_156 : i32 to index
        %get3A_168 = arith.constant 16 : index
        %get3A_169 = tpu.vector_load %arg9[%get3A_167, %get3A_168] {strides = array<i32>} : memref<256x128xf32, #tpu.memory_space<vmem>>, vector<1x16xf32>,
        %get3A_170 = vector.shape_cast %get3A_169 : vector<1x16xf32> to vector<16xf32>
        %mul3A_171 = vector.broadcast %squeeze3A : f32 to vector<16xf32>
        %mul3A_172 = arith.mulf %get3A_170, %mul3A_171 : vector<16xf32>
        %swap3A_173 = arith.index_cast %scan3A_156 : i32 to index
        %swap3A_174 = arith.constant 16 : index
        %swap3A_175 = tpu.vector_load %arg9[%swap3A_173, %swap3A_174] {strides = array<i32>} : memref<256x128xf32, #tpu.memory_space<vmem>>, vector<1x16xf32>,
        %swap3A_176 = vector.shape_cast %swap3A_175 : vector<1x16xf32> to vector<16xf32>
        %swap3A_177 = vector.shape_cast %mul3A_172 : vector<16xf32> to vector<1x16xf32>
        tpu.vector_store %arg9[%swap3A_173, %swap3A_174], %swap3A_177 {strides = array<i32>} : memref<256x128xf32, #tpu.memory_space<vmem>>, vector<1x16xf32>,
        %get3A_178 = arith.index_cast %scan3A_156 : i32 to index
        %get3A_179 = arith.constant 32 : index
        %get3A_180 = tpu.vector_load %arg9[%get3A_178, %get3A_179] {strides = array<i32>} : memref<256x128xf32, #tpu.memory_space<vmem>>, vector<1x16xf32>,
        %get3A_181 = vector.shape_cast %get3A_180 : vector<1x16xf32> to vector<16xf32>
        %mul3A_182 = vector.broadcast %squeeze3A : f32 to vector<16xf32>
        %mul3A_183 = arith.mulf %get3A_181, %mul3A_182 : vector<16xf32>
        %swap3A_184 = arith.index_cast %scan3A_156 : i32 to index
        %swap3A_185 = arith.constant 32 : index
        %swap3A_186 = tpu.vector_load %arg9[%swap3A_184, %swap3A_185] {strides = array<i32>} : memref<256x128xf32, #tpu.memory_space<vmem>>, vector<1x16xf32>,
        %swap3A_187 = vector.shape_cast %swap3A_186 : vector<1x16xf32> to vector<16xf32>
        %swap3A_188 = vector.shape_cast %mul3A_183 : vector<16xf32> to vector<1x16xf32>
        tpu.vector_store %arg9[%swap3A_184, %swap3A_185], %swap3A_188 {strides = array<i32>} : memref<256x128xf32, #tpu.memory_space<vmem>>, vector<1x16xf32>,
        %get3A_189 = arith.index_cast %scan3A_156 : i32 to index
        %get3A_190 = arith.constant 48 : index
        %get3A_191 = tpu.vector_load %arg9[%get3A_189, %get3A_190] {strides = array<i32>} : memref<256x128xf32, #tpu.memory_space<vmem>>, vector<1x16xf32>,
        %get3A_192 = vector.shape_cast %get3A_191 : vector<1x16xf32> to vector<16xf32>
        %mul3A_193 = vector.broadcast %squeeze3A : f32 to vector<16xf32>
        %mul3A_194 = arith.mulf %get3A_192, %mul3A_193 : vector<16xf32>
        %swap3A_195 = arith.index_cast %scan3A_156 : i32 to index
        %swap3A_196 = arith.constant 48 : index
        %swap3A_197 = tpu.vector_load %arg9[%swap3A_195, %swap3A_196] {strides = array<i32>} : memref<256x128xf32, #tpu.memory_space<vmem>>, vector<1x16xf32>,
        %swap3A_198 = vector.shape_cast %swap3A_197 : vector<1x16xf32> to vector<16xf32>
        %swap3A_199 = vector.shape_cast %mul3A_194 : vector<16xf32> to vector<1x16xf32>
        tpu.vector_store %arg9[%swap3A_195, %swap3A_196], %swap3A_199 {strides = array<i32>} : memref<256x128xf32, #tpu.memory_space<vmem>>, vector<1x16xf32>,
        %get3A_200 = arith.index_cast %scan3A_156 : i32 to index
        %get3A_201 = arith.constant 64 : index
        %get3A_202 = tpu.vector_load %arg9[%get3A_200, %get3A_201] {strides = array<i32>} : memref<256x128xf32, #tpu.memory_space<vmem>>, vector<1x16xf32>,
        %get3A_203 = vector.shape_cast %get3A_202 : vector<1x16xf32> to vector<16xf32>
        %mul3A_204 = vector.broadcast %squeeze3A : f32 to vector<16xf32>
        %mul3A_205 = arith.mulf %get3A_203, %mul3A_204 : vector<16xf32>
        %swap3A_206 = arith.index_cast %scan3A_156 : i32 to index
        %swap3A_207 = arith.constant 64 : index
        %swap3A_208 = tpu.vector_load %arg9[%swap3A_206, %swap3A_207] {strides = array<i32>} : memref<256x128xf32, #tpu.memory_space<vmem>>, vector<1x16xf32>,
        %swap3A_209 = vector.shape_cast %swap3A_208 : vector<1x16xf32> to vector<16xf32>
        %swap3A_210 = vector.shape_cast %mul3A_205 : vector<16xf32> to vector<1x16xf32>
        tpu.vector_store %arg9[%swap3A_206, %swap3A_207], %swap3A_210 {strides = array<i32>} : memref<256x128xf32, #tpu.memory_space<vmem>>, vector<1x16xf32>,
        %get3A_211 = arith.index_cast %scan3A_156 : i32 to index
        %get3A_212 = arith.constant 80 : index
        %get3A_213 = tpu.vector_load %arg9[%get3A_211, %get3A_212] {strides = array<i32>} : memref<256x128xf32, #tpu.memory_space<vmem>>, vector<1x16xf32>,
        %get3A_214 = vector.shape_cast %get3A_213 : vector<1x16xf32> to vector<16xf32>
        %mul3A_215 = vector.broadcast %squeeze3A : f32 to vector<16xf32>
        %mul3A_216 = arith.mulf %get3A_214, %mul3A_215 : vector<16xf32>
        %swap3A_217 = arith.index_cast %scan3A_156 : i32 to index
        %swap3A_218 = arith.constant 80 : index
        %swap3A_219 = tpu.vector_load %arg9[%swap3A_217, %swap3A_218] {strides = array<i32>} : memref<256x128xf32, #tpu.memory_space<vmem>>, vector<1x16xf32>,
        %swap3A_220 = vector.shape_cast %swap3A_219 : vector<1x16xf32> to vector<16xf32>
        %swap3A_221 = vector.shape_cast %mul3A_216 : vector<16xf32> to vector<1x16xf32>
        tpu.vector_store %arg9[%swap3A_217, %swap3A_218], %swap3A_221 {strides = array<i32>} : memref<256x128xf32, #tpu.memory_space<vmem>>, vector<1x16xf32>,
        %get3A_222 = arith.index_cast %scan3A_156 : i32 to index
        %get3A_223 = arith.constant 96 : index
        %get3A_224 = tpu.vector_load %arg9[%get3A_222, %get3A_223] {strides = array<i32>} : memref<256x128xf32, #tpu.memory_space<vmem>>, vector<1x16xf32>,
        %get3A_225 = vector.shape_cast %get3A_224 : vector<1x16xf32> to vector<16xf32>
        %mul3A_226 = vector.broadcast %squeeze3A : f32 to vector<16xf32>
        %mul3A_227 = arith.mulf %get3A_225, %mul3A_226 : vector<16xf32>
        %swap3A_228 = arith.index_cast %scan3A_156 : i32 to index
        %swap3A_229 = arith.constant 96 : index
        %swap3A_230 = tpu.vector_load %arg9[%swap3A_228, %swap3A_229] {strides = array<i32>} : memref<256x128xf32, #tpu.memory_space<vmem>>, vector<1x16xf32>,
        %swap3A_231 = vector.shape_cast %swap3A_230 : vector<1x16xf32> to vector<16xf32>
        %swap3A_232 = vector.shape_cast %mul3A_227 : vector<16xf32> to vector<1x16xf32>
        tpu.vector_store %arg9[%swap3A_228, %swap3A_229], %swap3A_232 {strides = array<i32>} : memref<256x128xf32, #tpu.memory_space<vmem>>, vector<1x16xf32>,
        %get3A_233 = arith.index_cast %scan3A_156 : i32 to index
        %get3A_234 = arith.constant 112 : index
        %get3A_235 = tpu.vector_load %arg9[%get3A_233, %get3A_234] {strides = array<i32>} : memref<256x128xf32, #tpu.memory_space<vmem>>, vector<1x16xf32>,
        %get3A_236 = vector.shape_cast %get3A_235 : vector<1x16xf32> to vector<16xf32>
        %mul3A_237 = vector.broadcast %squeeze3A : f32 to vector<16xf32>
        %mul3A_238 = arith.mulf %get3A_236, %mul3A_237 : vector<16xf32>
        %swap3A_239 = arith.index_cast %scan3A_156 : i32 to index
        %swap3A_240 = arith.constant 112 : index
        %swap3A_241 = tpu.vector_load %arg9[%swap3A_239, %swap3A_240] {strides = array<i32>} : memref<256x128xf32, #tpu.memory_space<vmem>>, vector<1x16xf32>,
        %swap3A_242 = vector.shape_cast %swap3A_241 : vector<1x16xf32> to vector<16xf32>
        %swap3A_243 = vector.shape_cast %mul3A_238 : vector<16xf32> to vector<1x16xf32>
        tpu.vector_store %arg9[%swap3A_239, %swap3A_240], %swap3A_243 {strides = array<i32>} : memref<256x128xf32, #tpu.memory_space<vmem>>, vector<1x16xf32>,
        %scan3A_244 = arith.constant 1 : i32
        %scan3A_245 = arith.addi %scan3A_156, %scan3A_244 : i32
        %get3A_246 = arith.index_cast %scan3A_245 : i32 to index
        %get3A_247 = arith.constant 0 : index
        %get3A_248 = tpu.vector_load %arg9[%get3A_246, %get3A_247] {strides = array<i32>} : memref<256x128xf32, #tpu.memory_space<vmem>>, vector<1x16xf32>,
        %get3A_249 = vector.shape_cast %get3A_248 : vector<1x16xf32> to vector<16xf32>
        %mul3A_250 = vector.broadcast %squeeze3A : f32 to vector<16xf32>
        %mul3A_251 = arith.mulf %get3A_249, %mul3A_250 : vector<16xf32>
        %swap3A_252 = arith.index_cast %scan3A_245 : i32 to index
        %swap3A_253 = arith.constant 0 : index
        %swap3A_254 = tpu.vector_load %arg9[%swap3A_252, %swap3A_253] {strides = array<i32>} : memref<256x128xf32, #tpu.memory_space<vmem>>, vector<1x16xf32>,
        %swap3A_255 = vector.shape_cast %swap3A_254 : vector<1x16xf32> to vector<16xf32>
        %swap3A_256 = vector.shape_cast %mul3A_251 : vector<16xf32> to vector<1x16xf32>
        tpu.vector_store %arg9[%swap3A_252, %swap3A_253], %swap3A_256 {strides = array<i32>} : memref<256x128xf32, #tpu.memory_space<vmem>>, vector<1x16xf32>,
        %get3A_257 = arith.index_cast %scan3A_245 : i32 to index
        %get3A_258 = arith.constant 16 : index
        %get3A_259 = tpu.vector_load %arg9[%get3A_257, %get3A_258] {strides = array<i32>} : memref<256x128xf32, #tpu.memory_space<vmem>>, vector<1x16xf32>,
        %get3A_260 = vector.shape_cast %get3A_259 : vector<1x16xf32> to vector<16xf32>
        %mul3A_261 = vector.broadcast %squeeze3A : f32 to vector<16xf32>
        %mul3A_262 = arith.mulf %get3A_260, %mul3A_261 : vector<16xf32>
        %swap3A_263 = arith.index_cast %scan3A_245 : i32 to index
        %swap3A_264 = arith.constant 16 : index
        %swap3A_265 = tpu.vector_load %arg9[%swap3A_263, %swap3A_264] {strides = array<i32>} : memref<256x128xf32, #tpu.memory_space<vmem>>, vector<1x16xf32>,
        %swap3A_266 = vector.shape_cast %swap3A_265 : vector<1x16xf32> to vector<16xf32>
        %swap3A_267 = vector.shape_cast %mul3A_262 : vector<16xf32> to vector<1x16xf32>
        tpu.vector_store %arg9[%swap3A_263, %swap3A_264], %swap3A_267 {strides = array<i32>} : memref<256x128xf32, #tpu.memory_space<vmem>>, vector<1x16xf32>,
        %get3A_268 = arith.index_cast %scan3A_245 : i32 to index
        %get3A_269 = arith.constant 32 : index
        %get3A_270 = tpu.vector_load %arg9[%get3A_268, %get3A_269] {strides = array<i32>} : memref<256x128xf32, #tpu.memory_space<vmem>>, vector<1x16xf32>,
        %get3A_271 = vector.shape_cast %get3A_270 : vector<1x16xf32> to vector<16xf32>
        %mul3A_272 = vector.broadcast %squeeze3A : f32 to vector<16xf32>
        %mul3A_273 = arith.mulf %get3A_271, %mul3A_272 : vector<16xf32>
        %swap3A_274 = arith.index_cast %scan3A_245 : i32 to index
        %swap3A_275 = arith.constant 32 : index
        %swap3A_276 = tpu.vector_load %arg9[%swap3A_274, %swap3A_275] {strides = array<i32>} : memref<256x128xf32, #tpu.memory_space<vmem>>, vector<1x16xf32>,
        %swap3A_277 = vector.shape_cast %swap3A_276 : vector<1x16xf32> to vector<16xf32>
        %swap3A_278 = vector.shape_cast %mul3A_273 : vector<16xf32> to vector<1x16xf32>
        tpu.vector_store %arg9[%swap3A_274, %swap3A_275], %swap3A_278 {strides = array<i32>} : memref<256x128xf32, #tpu.memory_space<vmem>>, vector<1x16xf32>,
        %get3A_279 = arith.index_cast %scan3A_245 : i32 to index
        %get3A_280 = arith.constant 48 : index
        %get3A_281 = tpu.vector_load %arg9[%get3A_279, %get3A_280] {strides = array<i32>} : memref<256x128xf32, #tpu.memory_space<vmem>>, vector<1x16xf32>,
        %get3A_282 = vector.shape_cast %get3A_281 : vector<1x16xf32> to vector<16xf32>
        %mul3A_283 = vector.broadcast %squeeze3A : f32 to vector<16xf32>
        %mul3A_284 = arith.mulf %get3A_282, %mul3A_283 : vector<16xf32>
        %swap3A_285 = arith.index_cast %scan3A_245 : i32 to index
        %swap3A_286 = arith.constant 48 : index
        %swap3A_287 = tpu.vector_load %arg9[%swap3A_285, %swap3A_286] {strides = array<i32>} : memref<256x128xf32, #tpu.memory_space<vmem>>, vector<1x16xf32>,
        %swap3A_288 = vector.shape_cast %swap3A_287 : vector<1x16xf32> to vector<16xf32>
        %swap3A_289 = vector.shape_cast %mul3A_284 : vector<16xf32> to vector<1x16xf32>
        tpu.vector_store %arg9[%swap3A_285, %swap3A_286], %swap3A_289 {strides = array<i32>} : memref<256x128xf32, #tpu.memory_space<vmem>>, vector<1x16xf32>,
        %get3A_290 = arith.index_cast %scan3A_245 : i32 to index
        %get3A_291 = arith.constant 64 : index
        %get3A_292 = tpu.vector_load %arg9[%get3A_290, %get3A_291] {strides = array<i32>} : memref<256x128xf32, #tpu.memory_space<vmem>>, vector<1x16xf32>,
        %get3A_293 = vector.shape_cast %get3A_292 : vector<1x16xf32> to vector<16xf32>
        %mul3A_294 = vector.broadcast %squeeze3A : f32 to vector<16xf32>
        %mul3A_295 = arith.mulf %get3A_293, %mul3A_294 : vector<16xf32>
        %swap3A_296 = arith.index_cast %scan3A_245 : i32 to index
        %swap3A_297 = arith.constant 64 : index
        %swap3A_298 = tpu.vector_load %arg9[%swap3A_296, %swap3A_297] {strides = array<i32>} : memref<256x128xf32, #tpu.memory_space<vmem>>, vector<1x16xf32>,
        %swap3A_299 = vector.shape_cast %swap3A_298 : vector<1x16xf32> to vector<16xf32>
        %swap3A_300 = vector.shape_cast %mul3A_295 : vector<16xf32> to vector<1x16xf32>
        tpu.vector_store %arg9[%swap3A_296, %swap3A_297], %swap3A_300 {strides = array<i32>} : memref<256x128xf32, #tpu.memory_space<vmem>>, vector<1x16xf32>,
        %get3A_301 = arith.index_cast %scan3A_245 : i32 to index
        %get3A_302 = arith.constant 80 : index
        %get3A_303 = tpu.vector_load %arg9[%get3A_301, %get3A_302] {strides = array<i32>} : memref<256x128xf32, #tpu.memory_space<vmem>>, vector<1x16xf32>,
        %get3A_304 = vector.shape_cast %get3A_303 : vector<1x16xf32> to vector<16xf32>
        %mul3A_305 = vector.broadcast %squeeze3A : f32 to vector<16xf32>
        %mul3A_306 = arith.mulf %get3A_304, %mul3A_305 : vector<16xf32>
        %swap3A_307 = arith.index_cast %scan3A_245 : i32 to index
        %swap3A_308 = arith.constant 80 : index
        %swap3A_309 = tpu.vector_load %arg9[%swap3A_307, %swap3A_308] {strides = array<i32>} : memref<256x128xf32, #tpu.memory_space<vmem>>, vector<1x16xf32>,
        %swap3A_310 = vector.shape_cast %swap3A_309 : vector<1x16xf32> to vector<16xf32>
        %swap3A_311 = vector.shape_cast %mul3A_306 : vector<16xf32> to vector<1x16xf32>
        tpu.vector_store %arg9[%swap3A_307, %swap3A_308], %swap3A_311 {strides = array<i32>} : memref<256x128xf32, #tpu.memory_space<vmem>>, vector<1x16xf32>,
        %get3A_312 = arith.index_cast %scan3A_245 : i32 to index
        %get3A_313 = arith.constant 96 : index
        %get3A_314 = tpu.vector_load %arg9[%get3A_312, %get3A_313] {strides = array<i32>} : memref<256x128xf32, #tpu.memory_space<vmem>>, vector<1x16xf32>,
        %get3A_315 = vector.shape_cast %get3A_314 : vector<1x16xf32> to vector<16xf32>
        %mul3A_316 = vector.broadcast %squeeze3A : f32 to vector<16xf32>
        %mul3A_317 = arith.mulf %get3A_315, %mul3A_316 : vector<16xf32>
        %swap3A_318 = arith.index_cast %scan3A_245 : i32 to index
        %swap3A_319 = arith.constant 96 : index
        %swap3A_320 = tpu.vector_load %arg9[%swap3A_318, %swap3A_319] {strides = array<i32>} : memref<256x128xf32, #tpu.memory_space<vmem>>, vector<1x16xf32>,
        %swap3A_321 = vector.shape_cast %swap3A_320 : vector<1x16xf32> to vector<16xf32>
        %swap3A_322 = vector.shape_cast %mul3A_317 : vector<16xf32> to vector<1x16xf32>
        tpu.vector_store %arg9[%swap3A_318, %swap3A_319], %swap3A_322 {strides = array<i32>} : memref<256x128xf32, #tpu.memory_space<vmem>>, vector<1x16xf32>,
        %get3A_323 = arith.index_cast %scan3A_245 : i32 to index
        %get3A_324 = arith.constant 112 : index
        %get3A_325 = tpu.vector_load %arg9[%get3A_323, %get3A_324] {strides = array<i32>} : memref<256x128xf32, #tpu.memory_space<vmem>>, vector<1x16xf32>,
        %get3A_326 = vector.shape_cast %get3A_325 : vector<1x16xf32> to vector<16xf32>
        %mul3A_327 = vector.broadcast %squeeze3A : f32 to vector<16xf32>
        %mul3A_328 = arith.mulf %get3A_326, %mul3A_327 : vector<16xf32>
        %swap3A_329 = arith.index_cast %scan3A_245 : i32 to index
        %swap3A_330 = arith.constant 112 : index
        %swap3A_331 = tpu.vector_load %arg9[%swap3A_329, %swap3A_330] {strides = array<i32>} : memref<256x128xf32, #tpu.memory_space<vmem>>, vector<1x16xf32>,
        %swap3A_332 = vector.shape_cast %swap3A_331 : vector<1x16xf32> to vector<16xf32>
        %swap3A_333 = vector.shape_cast %mul3A_328 : vector<16xf32> to vector<1x16xf32>
        tpu.vector_store %arg9[%swap3A_329, %swap3A_330], %swap3A_333 {strides = array<i32>} : memref<256x128xf32, #tpu.memory_space<vmem>>, vector<1x16xf32>,
      }
      %scan3A_148 = arith.constant 256 : i32
      %mul3A_149 = arith.constant 256 : i32
      %mul3A_150 = arith.muli %add3A_122, %mul3A_149 : i32
      %add3A_151 = arith.addi %mul3A_4, %mul3A_150 : i32
      %dma_start3A_152 = arith.constant 0 : i32
      %dma_start3A_153 = tpu.memref_slice %arg5[%add3A_151, %dma_start3A_152] : memref<819200x128xf32, #tpu.memory_space<hbm>> -> memref<256x128xf32, #tpu.memory_space<hbm>>
      %dma_start3A_154 = arith.constant 0 : i32
      %dma_start3A_155 = tpu.memref_slice %arg5[%add3A_151, %dma_start3A_154] : memref<819200x128xf32, #tpu.memory_space<hbm>> -> memref<256x128xf32, #tpu.memory_space<hbm>>
      tpu.enqueue_dma source(%arg9 : memref<256x128xf32, #tpu.memory_space<vmem>>) target(%dma_start3A_155 : memref<256x128xf32, #tpu.memory_space<hbm>>) target_semaphore(%arg15 : memref<!tpu.dma_semaphore, #tpu.memory_space<semaphore_mem>>)
    }
    %scan3A_16 = arith.constant 33 : i32
    %dma_wait3A = arith.constant 0 : i32
    %dma_wait3A_17 = tpu.memref_slice %arg5[%mul3A_4, %dma_wait3A] : memref<819200x128xf32, #tpu.memory_space<hbm>> -> memref<256x128xf32, #tpu.memory_space<hbm>>
    %dma_wait3A_18 = arith.constant 0 : i32
    %dma_wait3A_19 = tpu.memref_slice %arg5[%mul3A_4, %dma_wait3A_18] : memref<819200x128xf32, #tpu.memory_space<hbm>> -> memref<256x128xf32, #tpu.memory_space<hbm>>
    tpu.wait_dma2 semaphore(%arg14 : memref<!tpu.dma_semaphore, #tpu.memory_space<semaphore_mem>>) src(%arg8 : memref<256x128xf32, #tpu.memory_space<vmem>>) dst(%dma_wait3A_19 : memref<256x128xf32, #tpu.memory_space<hbm>>)
    %dma_wait3A_20 = arith.constant 0 : i32
    %dma_wait3A_21 = arith.constant 0 : i32
    %dma_wait3A_22 = tpu.memref_slice %arg7[%dma_wait3A_20, %dma_wait3A_21] : memref<256x128xf32, #tpu.memory_space<vmem>> -> memref<256x128xf32, #tpu.memory_space<vmem>>
    %dma_wait3A_23 = arith.constant 0 : i32
    %dma_wait3A_24 = tpu.memref_slice %arg6[%dma_wait3A_23] : memref<25600xi32, #tpu.memory_space<vmem>> -> memref<256xi32, #tpu.memory_space<vmem>>
    %dma_wait3A_25 = arith.constant 0 : i32
    %dma_wait3A_26 = arith.constant 0 : i32
    %dma_wait3A_27 = tpu.memref_slice %arg3[%dma_wait3A_25, %dma_wait3A_26] : memref<1000000x128xf32, #tpu.memory_space<hbm>> -> memref<1000000x128xf32, #tpu.memory_space<hbm>>
    tpu.wait_indirect_dma semaphore(%arg10 : memref<!tpu.dma_semaphore, #tpu.memory_space<semaphore_mem>>) src(%dma_wait3A_27 : memref<1000000x128xf32, #tpu.memory_space<hbm>>) dst(%dma_wait3A_22 : memref<256x128xf32, #tpu.memory_space<vmem>>)
    %scan3A_28 = arith.constant 0 : i32
    %scan3A_29 = arith.constant 0 : i32
    %scan3A_30 = arith.constant 256 : i32
    %scan3A_31 = arith.addi %scan3A_29, %scan3A_30 : i32
    %scan3A_32 = arith.constant 2 : i32
    scf.for %scan3A_48 = %scan3A_29 to %scan3A_31 step %scan3A_32  : i32 {
      %get3A_49 = arith.index_cast %scan3A_48 : i32 to index
      %get3A_50 = arith.constant 0 : index
      %get3A_51 = tpu.vector_load %arg7[%get3A_49, %get3A_50] {strides = array<i32>} : memref<256x128xf32, #tpu.memory_space<vmem>>, vector<1x16xf32>,
      %get3A_52 = vector.shape_cast %get3A_51 : vector<1x16xf32> to vector<16xf32>
      %mul3A_53 = vector.broadcast %squeeze3A : f32 to vector<16xf32>
      %mul3A_54 = arith.mulf %get3A_52, %mul3A_53 : vector<16xf32>
      %swap3A = arith.index_cast %scan3A_48 : i32 to index
      %swap3A_55 = arith.constant 0 : index
      %swap3A_56 = tpu.vector_load %arg7[%swap3A, %swap3A_55] {strides = array<i32>} : memref<256x128xf32, #tpu.memory_space<vmem>>, vector<1x16xf32>,
      %swap3A_57 = vector.shape_cast %swap3A_56 : vector<1x16xf32> to vector<16xf32>
      %swap3A_58 = vector.shape_cast %mul3A_54 : vector<16xf32> to vector<1x16xf32>
      tpu.vector_store %arg7[%swap3A, %swap3A_55], %swap3A_58 {strides = array<i32>} : memref<256x128xf32, #tpu.memory_space<vmem>>, vector<1x16xf32>,
      %get3A_59 = arith.index_cast %scan3A_48 : i32 to index
      %get3A_60 = arith.constant 16 : index
      %get3A_61 = tpu.vector_load %arg7[%get3A_59, %get3A_60] {strides = array<i32>} : memref<256x128xf32, #tpu.memory_space<vmem>>, vector<1x16xf32>,
      %get3A_62 = vector.shape_cast %get3A_61 : vector<1x16xf32> to vector<16xf32>
      %mul3A_63 = vector.broadcast %squeeze3A : f32 to vector<16xf32>
      %mul3A_64 = arith.mulf %get3A_62, %mul3A_63 : vector<16xf32>
      %swap3A_65 = arith.index_cast %scan3A_48 : i32 to index
      %swap3A_66 = arith.constant 16 : index
      %swap3A_67 = tpu.vector_load %arg7[%swap3A_65, %swap3A_66] {strides = array<i32>} : memref<256x128xf32, #tpu.memory_space<vmem>>, vector<1x16xf32>,
      %swap3A_68 = vector.shape_cast %swap3A_67 : vector<1x16xf32> to vector<16xf32>
      %swap3A_69 = vector.shape_cast %mul3A_64 : vector<16xf32> to vector<1x16xf32>
      tpu.vector_store %arg7[%swap3A_65, %swap3A_66], %swap3A_69 {strides = array<i32>} : memref<256x128xf32, #tpu.memory_space<vmem>>, vector<1x16xf32>,
      %get3A_70 = arith.index_cast %scan3A_48 : i32 to index
      %get3A_71 = arith.constant 32 : index
      %get3A_72 = tpu.vector_load %arg7[%get3A_70, %get3A_71] {strides = array<i32>} : memref<256x128xf32, #tpu.memory_space<vmem>>, vector<1x16xf32>,
      %get3A_73 = vector.shape_cast %get3A_72 : vector<1x16xf32> to vector<16xf32>
      %mul3A_74 = vector.broadcast %squeeze3A : f32 to vector<16xf32>
      %mul3A_75 = arith.mulf %get3A_73, %mul3A_74 : vector<16xf32>
      %swap3A_76 = arith.index_cast %scan3A_48 : i32 to index
      %swap3A_77 = arith.constant 32 : index
      %swap3A_78 = tpu.vector_load %arg7[%swap3A_76, %swap3A_77] {strides = array<i32>} : memref<256x128xf32, #tpu.memory_space<vmem>>, vector<1x16xf32>,
      %swap3A_79 = vector.shape_cast %swap3A_78 : vector<1x16xf32> to vector<16xf32>
      %swap3A_80 = vector.shape_cast %mul3A_75 : vector<16xf32> to vector<1x16xf32>
      tpu.vector_store %arg7[%swap3A_76, %swap3A_77], %swap3A_80 {strides = array<i32>} : memref<256x128xf32, #tpu.memory_space<vmem>>, vector<1x16xf32>,
      %get3A_81 = arith.index_cast %scan3A_48 : i32 to index
      %get3A_82 = arith.constant 48 : index
      %get3A_83 = tpu.vector_load %arg7[%get3A_81, %get3A_82] {strides = array<i32>} : memref<256x128xf32, #tpu.memory_space<vmem>>, vector<1x16xf32>,
      %get3A_84 = vector.shape_cast %get3A_83 : vector<1x16xf32> to vector<16xf32>
      %mul3A_85 = vector.broadcast %squeeze3A : f32 to vector<16xf32>
      %mul3A_86 = arith.mulf %get3A_84, %mul3A_85 : vector<16xf32>
      %swap3A_87 = arith.index_cast %scan3A_48 : i32 to index
      %swap3A_88 = arith.constant 48 : index
      %swap3A_89 = tpu.vector_load %arg7[%swap3A_87, %swap3A_88] {strides = array<i32>} : memref<256x128xf32, #tpu.memory_space<vmem>>, vector<1x16xf32>,
      %swap3A_90 = vector.shape_cast %swap3A_89 : vector<1x16xf32> to vector<16xf32>
      %swap3A_91 = vector.shape_cast %mul3A_86 : vector<16xf32> to vector<1x16xf32>
      tpu.vector_store %arg7[%swap3A_87, %swap3A_88], %swap3A_91 {strides = array<i32>} : memref<256x128xf32, #tpu.memory_space<vmem>>, vector<1x16xf32>,
      %get3A_92 = arith.index_cast %scan3A_48 : i32 to index
      %get3A_93 = arith.constant 64 : index
      %get3A_94 = tpu.vector_load %arg7[%get3A_92, %get3A_93] {strides = array<i32>} : memref<256x128xf32, #tpu.memory_space<vmem>>, vector<1x16xf32>,
      %get3A_95 = vector.shape_cast %get3A_94 : vector<1x16xf32> to vector<16xf32>
      %mul3A_96 = vector.broadcast %squeeze3A : f32 to vector<16xf32>
      %mul3A_97 = arith.mulf %get3A_95, %mul3A_96 : vector<16xf32>
      %swap3A_98 = arith.index_cast %scan3A_48 : i32 to index
      %swap3A_99 = arith.constant 64 : index
      %swap3A_100 = tpu.vector_load %arg7[%swap3A_98, %swap3A_99] {strides = array<i32>} : memref<256x128xf32, #tpu.memory_space<vmem>>, vector<1x16xf32>,
      %swap3A_101 = vector.shape_cast %swap3A_100 : vector<1x16xf32> to vector<16xf32>
      %swap3A_102 = vector.shape_cast %mul3A_97 : vector<16xf32> to vector<1x16xf32>
      tpu.vector_store %arg7[%swap3A_98, %swap3A_99], %swap3A_102 {strides = array<i32>} : memref<256x128xf32, #tpu.memory_space<vmem>>, vector<1x16xf32>,
      %get3A_103 = arith.index_cast %scan3A_48 : i32 to index
      %get3A_104 = arith.constant 80 : index
      %get3A_105 = tpu.vector_load %arg7[%get3A_103, %get3A_104] {strides = array<i32>} : memref<256x128xf32, #tpu.memory_space<vmem>>, vector<1x16xf32>,
      %get3A_106 = vector.shape_cast %get3A_105 : vector<1x16xf32> to vector<16xf32>
      %mul3A_107 = vector.broadcast %squeeze3A : f32 to vector<16xf32>
      %mul3A_108 = arith.mulf %get3A_106, %mul3A_107 : vector<16xf32>
      %swap3A_109 = arith.index_cast %scan3A_48 : i32 to index
      %swap3A_110 = arith.constant 80 : index
      %swap3A_111 = tpu.vector_load %arg7[%swap3A_109, %swap3A_110] {strides = array<i32>} : memref<256x128xf32, #tpu.memory_space<vmem>>, vector<1x16xf32>,
      %swap3A_112 = vector.shape_cast %swap3A_111 : vector<1x16xf32> to vector<16xf32>
      %swap3A_113 = vector.shape_cast %mul3A_108 : vector<16xf32> to vector<1x16xf32>
      tpu.vector_store %arg7[%swap3A_109, %swap3A_110], %swap3A_113 {strides = array<i32>} : memref<256x128xf32, #tpu.memory_space<vmem>>, vector<1x16xf32>,
      %get3A_114 = arith.index_cast %scan3A_48 : i32 to index
      %get3A_115 = arith.constant 96 : index
      %get3A_116 = tpu.vector_load %arg7[%get3A_114, %get3A_115] {strides = array<i32>} : memref<256x128xf32, #tpu.memory_space<vmem>>, vector<1x16xf32>,
      %get3A_117 = vector.shape_cast %get3A_116 : vector<1x16xf32> to vector<16xf32>
      %mul3A_118 = vector.broadcast %squeeze3A : f32 to vector<16xf32>
      %mul3A_119 = arith.mulf %get3A_117, %mul3A_118 : vector<16xf32>
      %swap3A_120 = arith.index_cast %scan3A_48 : i32 to index
      %swap3A_121 = arith.constant 96 : index
      %swap3A_122 = tpu.vector_load %arg7[%swap3A_120, %swap3A_121] {strides = array<i32>} : memref<256x128xf32, #tpu.memory_space<vmem>>, vector<1x16xf32>,
      %swap3A_123 = vector.shape_cast %swap3A_122 : vector<1x16xf32> to vector<16xf32>
      %swap3A_124 = vector.shape_cast %mul3A_119 : vector<16xf32> to vector<1x16xf32>
      tpu.vector_store %arg7[%swap3A_120, %swap3A_121], %swap3A_124 {strides = array<i32>} : memref<256x128xf32, #tpu.memory_space<vmem>>, vector<1x16xf32>,
      %get3A_125 = arith.index_cast %scan3A_48 : i32 to index
      %get3A_126 = arith.constant 112 : index
      %get3A_127 = tpu.vector_load %arg7[%get3A_125, %get3A_126] {strides = array<i32>} : memref<256x128xf32, #tpu.memory_space<vmem>>, vector<1x16xf32>,
      %get3A_128 = vector.shape_cast %get3A_127 : vector<1x16xf32> to vector<16xf32>
      %mul3A_129 = vector.broadcast %squeeze3A : f32 to vector<16xf32>
      %mul3A_130 = arith.mulf %get3A_128, %mul3A_129 : vector<16xf32>
      %swap3A_131 = arith.index_cast %scan3A_48 : i32 to index
      %swap3A_132 = arith.constant 112 : index
      %swap3A_133 = tpu.vector_load %arg7[%swap3A_131, %swap3A_132] {strides = array<i32>} : memref<256x128xf32, #tpu.memory_space<vmem>>, vector<1x16xf32>,
      %swap3A_134 = vector.shape_cast %swap3A_133 : vector<1x16xf32> to vector<16xf32>
      %swap3A_135 = vector.shape_cast %mul3A_130 : vector<16xf32> to vector<1x16xf32>
      tpu.vector_store %arg7[%swap3A_131, %swap3A_132], %swap3A_135 {strides = array<i32>} : memref<256x128xf32, #tpu.memory_space<vmem>>, vector<1x16xf32>,
      %scan3A_136 = arith.constant 1 : i32
      %scan3A_137 = arith.addi %scan3A_48, %scan3A_136 : i32
      %get3A_138 = arith.index_cast %scan3A_137 : i32 to index
      %get3A_139 = arith.constant 0 : index
      %get3A_140 = tpu.vector_load %arg7[%get3A_138, %get3A_139] {strides = array<i32>} : memref<256x128xf32, #tpu.memory_space<vmem>>, vector<1x16xf32>,
      %get3A_141 = vector.shape_cast %get3A_140 : vector<1x16xf32> to vector<16xf32>
      %mul3A_142 = vector.broadcast %squeeze3A : f32 to vector<16xf32>
      %mul3A_143 = arith.mulf %get3A_141, %mul3A_142 : vector<16xf32>
      %swap3A_144 = arith.index_cast %scan3A_137 : i32 to index
      %swap3A_145 = arith.constant 0 : index
      %swap3A_146 = tpu.vector_load %arg7[%swap3A_144, %swap3A_145] {strides = array<i32>} : memref<256x128xf32, #tpu.memory_space<vmem>>, vector<1x16xf32>,
      %swap3A_147 = vector.shape_cast %swap3A_146 : vector<1x16xf32> to vector<16xf32>
      %swap3A_148 = vector.shape_cast %mul3A_143 : vector<16xf32> to vector<1x16xf32>
      tpu.vector_store %arg7[%swap3A_144, %swap3A_145], %swap3A_148 {strides = array<i32>} : memref<256x128xf32, #tpu.memory_space<vmem>>, vector<1x16xf32>,
      %get3A_149 = arith.index_cast %scan3A_137 : i32 to index
      %get3A_150 = arith.constant 16 : index
      %get3A_151 = tpu.vector_load %arg7[%get3A_149, %get3A_150] {strides = array<i32>} : memref<256x128xf32, #tpu.memory_space<vmem>>, vector<1x16xf32>,
      %get3A_152 = vector.shape_cast %get3A_151 : vector<1x16xf32> to vector<16xf32>
      %mul3A_153 = vector.broadcast %squeeze3A : f32 to vector<16xf32>
      %mul3A_154 = arith.mulf %get3A_152, %mul3A_153 : vector<16xf32>
      %swap3A_155 = arith.index_cast %scan3A_137 : i32 to index
      %swap3A_156 = arith.constant 16 : index
      %swap3A_157 = tpu.vector_load %arg7[%swap3A_155, %swap3A_156] {strides = array<i32>} : memref<256x128xf32, #tpu.memory_space<vmem>>, vector<1x16xf32>,
      %swap3A_158 = vector.shape_cast %swap3A_157 : vector<1x16xf32> to vector<16xf32>
      %swap3A_159 = vector.shape_cast %mul3A_154 : vector<16xf32> to vector<1x16xf32>
      tpu.vector_store %arg7[%swap3A_155, %swap3A_156], %swap3A_159 {strides = array<i32>} : memref<256x128xf32, #tpu.memory_space<vmem>>, vector<1x16xf32>,
      %get3A_160 = arith.index_cast %scan3A_137 : i32 to index
      %get3A_161 = arith.constant 32 : index
      %get3A_162 = tpu.vector_load %arg7[%get3A_160, %get3A_161] {strides = array<i32>} : memref<256x128xf32, #tpu.memory_space<vmem>>, vector<1x16xf32>,
      %get3A_163 = vector.shape_cast %get3A_162 : vector<1x16xf32> to vector<16xf32>
      %mul3A_164 = vector.broadcast %squeeze3A : f32 to vector<16xf32>
      %mul3A_165 = arith.mulf %get3A_163, %mul3A_164 : vector<16xf32>
      %swap3A_166 = arith.index_cast %scan3A_137 : i32 to index
      %swap3A_167 = arith.constant 32 : index
      %swap3A_168 = tpu.vector_load %arg7[%swap3A_166, %swap3A_167] {strides = array<i32>} : memref<256x128xf32, #tpu.memory_space<vmem>>, vector<1x16xf32>,
      %swap3A_169 = vector.shape_cast %swap3A_168 : vector<1x16xf32> to vector<16xf32>
      %swap3A_170 = vector.shape_cast %mul3A_165 : vector<16xf32> to vector<1x16xf32>
      tpu.vector_store %arg7[%swap3A_166, %swap3A_167], %swap3A_170 {strides = array<i32>} : memref<256x128xf32, #tpu.memory_space<vmem>>, vector<1x16xf32>,
      %get3A_171 = arith.index_cast %scan3A_137 : i32 to index
      %get3A_172 = arith.constant 48 : index
      %get3A_173 = tpu.vector_load %arg7[%get3A_171, %get3A_172] {strides = array<i32>} : memref<256x128xf32, #tpu.memory_space<vmem>>, vector<1x16xf32>,
      %get3A_174 = vector.shape_cast %get3A_173 : vector<1x16xf32> to vector<16xf32>
      %mul3A_175 = vector.broadcast %squeeze3A : f32 to vector<16xf32>
      %mul3A_176 = arith.mulf %get3A_174, %mul3A_175 : vector<16xf32>
      %swap3A_177 = arith.index_cast %scan3A_137 : i32 to index
      %swap3A_178 = arith.constant 48 : index
      %swap3A_179 = tpu.vector_load %arg7[%swap3A_177, %swap3A_178] {strides = array<i32>} : memref<256x128xf32, #tpu.memory_space<vmem>>, vector<1x16xf32>,
      %swap3A_180 = vector.shape_cast %swap3A_179 : vector<1x16xf32> to vector<16xf32>
      %swap3A_181 = vector.shape_cast %mul3A_176 : vector<16xf32> to vector<1x16xf32>
      tpu.vector_store %arg7[%swap3A_177, %swap3A_178], %swap3A_181 {strides = array<i32>} : memref<256x128xf32, #tpu.memory_space<vmem>>, vector<1x16xf32>,
      %get3A_182 = arith.index_cast %scan3A_137 : i32 to index
      %get3A_183 = arith.constant 64 : index
      %get3A_184 = tpu.vector_load %arg7[%get3A_182, %get3A_183] {strides = array<i32>} : memref<256x128xf32, #tpu.memory_space<vmem>>, vector<1x16xf32>,
      %get3A_185 = vector.shape_cast %get3A_184 : vector<1x16xf32> to vector<16xf32>
      %mul3A_186 = vector.broadcast %squeeze3A : f32 to vector<16xf32>
      %mul3A_187 = arith.mulf %get3A_185, %mul3A_186 : vector<16xf32>
      %swap3A_188 = arith.index_cast %scan3A_137 : i32 to index
      %swap3A_189 = arith.constant 64 : index
      %swap3A_190 = tpu.vector_load %arg7[%swap3A_188, %swap3A_189] {strides = array<i32>} : memref<256x128xf32, #tpu.memory_space<vmem>>, vector<1x16xf32>,
      %swap3A_191 = vector.shape_cast %swap3A_190 : vector<1x16xf32> to vector<16xf32>
      %swap3A_192 = vector.shape_cast %mul3A_187 : vector<16xf32> to vector<1x16xf32>
      tpu.vector_store %arg7[%swap3A_188, %swap3A_189], %swap3A_192 {strides = array<i32>} : memref<256x128xf32, #tpu.memory_space<vmem>>, vector<1x16xf32>,
      %get3A_193 = arith.index_cast %scan3A_137 : i32 to index
      %get3A_194 = arith.constant 80 : index
      %get3A_195 = tpu.vector_load %arg7[%get3A_193, %get3A_194] {strides = array<i32>} : memref<256x128xf32, #tpu.memory_space<vmem>>, vector<1x16xf32>,
      %get3A_196 = vector.shape_cast %get3A_195 : vector<1x16xf32> to vector<16xf32>
      %mul3A_197 = vector.broadcast %squeeze3A : f32 to vector<16xf32>
      %mul3A_198 = arith.mulf %get3A_196, %mul3A_197 : vector<16xf32>
      %swap3A_199 = arith.index_cast %scan3A_137 : i32 to index
      %swap3A_200 = arith.constant 80 : index
      %swap3A_201 = tpu.vector_load %arg7[%swap3A_199, %swap3A_200] {strides = array<i32>} : memref<256x128xf32, #tpu.memory_space<vmem>>, vector<1x16xf32>,
      %swap3A_202 = vector.shape_cast %swap3A_201 : vector<1x16xf32> to vector<16xf32>
      %swap3A_203 = vector.shape_cast %mul3A_198 : vector<16xf32> to vector<1x16xf32>
      tpu.vector_store %arg7[%swap3A_199, %swap3A_200], %swap3A_203 {strides = array<i32>} : memref<256x128xf32, #tpu.memory_space<vmem>>, vector<1x16xf32>,
      %get3A_204 = arith.index_cast %scan3A_137 : i32 to index
      %get3A_205 = arith.constant 96 : index
      %get3A_206 = tpu.vector_load %arg7[%get3A_204, %get3A_205] {strides = array<i32>} : memref<256x128xf32, #tpu.memory_space<vmem>>, vector<1x16xf32>,
      %get3A_207 = vector.shape_cast %get3A_206 : vector<1x16xf32> to vector<16xf32>
      %mul3A_208 = vector.broadcast %squeeze3A : f32 to vector<16xf32>
      %mul3A_209 = arith.mulf %get3A_207, %mul3A_208 : vector<16xf32>
      %swap3A_210 = arith.index_cast %scan3A_137 : i32 to index
      %swap3A_211 = arith.constant 96 : index
      %swap3A_212 = tpu.vector_load %arg7[%swap3A_210, %swap3A_211] {strides = array<i32>} : memref<256x128xf32, #tpu.memory_space<vmem>>, vector<1x16xf32>,
      %swap3A_213 = vector.shape_cast %swap3A_212 : vector<1x16xf32> to vector<16xf32>
      %swap3A_214 = vector.shape_cast %mul3A_209 : vector<16xf32> to vector<1x16xf32>
      tpu.vector_store %arg7[%swap3A_210, %swap3A_211], %swap3A_214 {strides = array<i32>} : memref<256x128xf32, #tpu.memory_space<vmem>>, vector<1x16xf32>,
      %get3A_215 = arith.index_cast %scan3A_137 : i32 to index
      %get3A_216 = arith.constant 112 : index
      %get3A_217 = tpu.vector_load %arg7[%get3A_215, %get3A_216] {strides = array<i32>} : memref<256x128xf32, #tpu.memory_space<vmem>>, vector<1x16xf32>,
      %get3A_218 = vector.shape_cast %get3A_217 : vector<1x16xf32> to vector<16xf32>
      %mul3A_219 = vector.broadcast %squeeze3A : f32 to vector<16xf32>
      %mul3A_220 = arith.mulf %get3A_218, %mul3A_219 : vector<16xf32>
      %swap3A_221 = arith.index_cast %scan3A_137 : i32 to index
      %swap3A_222 = arith.constant 112 : index
      %swap3A_223 = tpu.vector_load %arg7[%swap3A_221, %swap3A_222] {strides = array<i32>} : memref<256x128xf32, #tpu.memory_space<vmem>>, vector<1x16xf32>,
      %swap3A_224 = vector.shape_cast %swap3A_223 : vector<1x16xf32> to vector<16xf32>
      %swap3A_225 = vector.shape_cast %mul3A_220 : vector<16xf32> to vector<1x16xf32>
      tpu.vector_store %arg7[%swap3A_221, %swap3A_222], %swap3A_225 {strides = array<i32>} : memref<256x128xf32, #tpu.memory_space<vmem>>, vector<1x16xf32>,
    }
    %scan3A_33 = arith.constant 256 : i32
    %add3A_34 = arith.constant 25344 : i32
    %add3A_35 = arith.addi %mul3A_4, %add3A_34 : i32
    %dma_start3A_36 = arith.constant 0 : i32
    %dma_start3A_37 = tpu.memref_slice %arg5[%add3A_35, %dma_start3A_36] : memref<819200x128xf32, #tpu.memory_space<hbm>> -> memref<256x128xf32, #tpu.memory_space<hbm>>
    %dma_start3A_38 = arith.constant 0 : i32
    %dma_start3A_39 = tpu.memref_slice %arg5[%add3A_35, %dma_start3A_38] : memref<819200x128xf32, #tpu.memory_space<hbm>> -> memref<256x128xf32, #tpu.memory_space<hbm>>
    tpu.enqueue_dma source(%arg7 : memref<256x128xf32, #tpu.memory_space<vmem>>) target(%dma_start3A_39 : memref<256x128xf32, #tpu.memory_space<hbm>>) target_semaphore(%arg13 : memref<!tpu.dma_semaphore, #tpu.memory_space<semaphore_mem>>)
    %dma_wait3A_40 = arith.constant 0 : i32
    %dma_wait3A_41 = tpu.memref_slice %arg5[%mul3A_4, %dma_wait3A_40] : memref<819200x128xf32, #tpu.memory_space<hbm>> -> memref<256x128xf32, #tpu.memory_space<hbm>>
    %dma_wait3A_42 = arith.constant 0 : i32
    %dma_wait3A_43 = tpu.memref_slice %arg5[%mul3A_4, %dma_wait3A_42] : memref<819200x128xf32, #tpu.memory_space<hbm>> -> memref<256x128xf32, #tpu.memory_space<hbm>>
    tpu.wait_dma2 semaphore(%arg15 : memref<!tpu.dma_semaphore, #tpu.memory_space<semaphore_mem>>) src(%arg9 : memref<256x128xf32, #tpu.memory_space<vmem>>) dst(%dma_wait3A_43 : memref<256x128xf32, #tpu.memory_space<hbm>>)
    %dma_wait3A_44 = arith.constant 0 : i32
    %dma_wait3A_45 = tpu.memref_slice %arg5[%mul3A_4, %dma_wait3A_44] : memref<819200x128xf32, #tpu.memory_space<hbm>> -> memref<256x128xf32, #tpu.memory_space<hbm>>
    %dma_wait3A_46 = arith.constant 0 : i32
    %dma_wait3A_47 = tpu.memref_slice %arg5[%mul3A_4, %dma_wait3A_46] : memref<819200x128xf32, #tpu.memory_space<hbm>> -> memref<256x128xf32, #tpu.memory_space<hbm>>
    tpu.wait_dma2 semaphore(%arg13 : memref<!tpu.dma_semaphore, #tpu.memory_space<semaphore_mem>>) src(%arg7 : memref<256x128xf32, #tpu.memory_space<vmem>>) dst(%dma_wait3A_47 : memref<256x128xf32, #tpu.memory_space<hbm>>)
    return
  }
}

</mosaic_0001>

<sc_bundles>
// kernel: kernel.3.cloned.1.call-start
scs
__scs_entry_jumppad:
0x0: {  	(pc) =	sbr.rel $0x88, $3  }
0x1: {  	(tag) =	ssettag $0x0;
	lr =	simm.s32 $0x1  }
0x2: {  	[smem:$0x3F9F] =	sst lr;
	_ =	strace $0xD0000000  }
0x3: {  	_ = 	snop  }
0x4: {  	_ = 	snop  }
0x5: {  	_ = 	snop  }
0x6: {  	_ = 	snop  }
0x7: {  	_ = 	snop  }
__scs_overlays_trampoline_lowered:
0x8: {  	[smem:$0x3FAE] =	sst s0  }
0x9: {  	[smem:$0x3FAF] =	sst s1  }
0xa: {  	[smem:$0x3FB0] =	sst s2  }
0xb: {  	[smem:$0x3FB1] =	sst s3  }
0xc: {  	[smem:$0x3FB2] =	sst s4  }
0xd: {  	[smem:$0x3FB3] =	sst s5  }
0xe: {  	[smem:$0x3FB4] =	sst s6  }
0xf: {  	[smem:$0x3FB5] =	sst s7  }
0x10: {  	[smem:$0x3FB6] =	sst s8  }
0x11: {  	[smem:$0x3FB7] =	sst s9;
	s0 =	simm.s32 @!p0 $0x0  }
0x12: {  	s1 =	sld [smem:$0x3F9D];
	s0 =	simm.s32 @p0 $0x1  }
0x13: {  	[smem:$0x3FB8] =	sst s0;
	s0 =	simm.s32 @!p1 $0x0  }
0x14: {  	s2 =	sld [smem:$0x3F9C];
	s0 =	simm.s32 @p1 $0x1  }
0x15: {  	[smem:$0x3FB9] =	sst s0;
	s0 =	simm.s32 @!p2 $0x0  }
0x16: {  	s3 =	sld [smem:$0x3FDB];
	s0 =	simm.s32 @p2 $0x1  }
0x17: {  	s4 =	simm.s32 $0x1BF5;
	[smem:$0x3FBB] =	sst s0  }
0x18: {  	s0 =	sld [smem:$0x3F9E];
	_ =	swait.ge [sflag:s4], $0x0  }
0x19: {  	s7 =	sld [smem:$0x3F9F]  }
0x1a: {  	s8 =	sadd.s32 $0xFFFFE003, lr  }
0x1b: {  	s9 =	sadd.s32 $0xFFFFFEF7, lr;
	s5 =	simm.s32 $0xFFFFFFFF;
	p2 =	slt.u32 s8, $0xFFFFF086  }
0x1c: {  	p1 =	slt.u32 s9, $0xF7A;
	s5 =	simm.s32 @!p2 $0x0  }
0x1d: {  	s5 =	simm.s32 @p1 $0x1;
	p0 =	seq.s32 s7, s2  }
0x1e: {  	s7 =	smul.u32 @!p0 $0xF7A, s2;
	p2 =	seq.s32 @!p0 s5, $0x0  }
0x1f: {  	s9 =	smul.u32 $0xF7A, s1;
	s8 =	simm.s32 @!p0 $0x1BF5;
	p2 =	por !p2, p0  }
0x20: {  	[sflag:s8] =	ssyncset.s32 @!p0 $0xFFFFF086;
	s6 =	sadd.s32 @!p0 s3, s7;
	s7 =	simm.s32 @!p0 $0x108  }
0x21: {  	s3 =	sadd.s32 s3, s9;
	s6 =	sadd.s32 @!p0 $0x88, s6;
	s7 =	simm.s32 @p2 $0x1082  }
0x22: {  	[simem:s7], [sflag:s8] =	dma.local @!p0 [hbm:s6], $0xF7A  }
0x23: {  	s9 =	sor.u32 $0xD0000000, s2;
	s6 =	simm.s32 $0x108;
	_ =	swait.ge @!p0 [sflag:s8], $0x0  }
0x24: {  	s3 =	sadd.s32 $0x88, s3;
	s6 =	simm.s32 @!p1 $0x1082;
	[sflag:s4] =	ssyncset.s32 $0xFFFFF086  }
0x25: {  	[simem:s6], [sflag:s4] =	dma.local [hbm:s3], $0xF7A  }
0x26: {  	[smem:$0x3F9F] =	sst s1;
	(tag) =	ssettag s2;
	_ =	strace s9  }
0x27: {  	s1 =	sld [smem:$0x3FAF]  }
0x28: {  	s2 =	sld [smem:$0x3FB0]  }
0x29: {  	s4 =	sld [smem:$0x3FB2]  }
0x2a: {  	p0 =	seq.s32 s5, $0x0;
	s5 =	sld [smem:$0x3FB3]  }
0x2b: {  	s6 =	sld [smem:$0x3FB4]  }
0x2c: {  	s7 =	sld [smem:$0x3FB5]  }
0x2d: {  	s3 =	simm.s32 $0x108;
	s8 =	sld [smem:$0x3FB6]  }
0x2e: {  	s3 =	simm.s32 @!p0 $0x1082;
	s9 =	sld [smem:$0x3FB7]  }
0x2f: {  	lr =	sadd.s32 s0, s3;
	s0 =	sld [smem:$0x3FAE]  }
0x30: {  	s3 =	sld [smem:$0x3FB1]  }
0x31: {  	[smem:$0x3FBA] =	sst s10  }
0x32: {  	s10 =	sld [smem:$0x3FB8];
	_ =	sdelay $0x3  }
0x33: {  	p0 =	seq.s32 s10, $0x1;
	s10 =	sld [smem:$0x3FBA];
	_ =	sdelay $0x3  }
0x34: {  	[smem:$0x3FBA] =	sst s10  }
0x35: {  	s10 =	sld [smem:$0x3FB9];
	_ =	sdelay $0x3  }
0x36: {  	p1 =	seq.s32 s10, $0x1;
	s10 =	sld [smem:$0x3FBA];
	_ =	sdelay $0x3  }
0x37: {  	[smem:$0x3FBA] =	sst s10  }
0x38: {  	s10 =	sld [smem:$0x3FBB]  }
0x39: {  	_ = 	snop;
	(pc) =	sbr.ind lr, $3  }
0x3a: {  	_ = 	snop  }
0x3b: {  	_ = 	snop  }
0x3c: {  	p2 =	seq.s32 s10, $0x1;
	s10 =	sld [smem:$0x3FBA]  }
0x3d: {  	_ =	shalt  }
0x3e: {  	_ =	shalt  }
0x3f: {  	_ =	shalt  }
0x40: {  	_ =	shalt  }
0x41: {  	_ =	shalt  }
0x42: {  	_ =	shalt  }
0x43: {  	_ =	shalt  }
0x44: {  	_ =	shalt  }
0x45: {  	_ =	shalt  }
0x46: {  	_ =	shalt  }
0x47: {  	_ =	shalt  }
0x48: {  	_ =	shalt  }
0x49: {  	_ =	shalt  }
0x4a: {  	_ =	shalt  }
0x4b: {  	_ =	shalt  }
0x4c: {  	_ =	shalt  }
0x4d: {  	_ =	shalt  }
0x4e: {  	_ =	shalt  }
0x4f: {  	_ =	shalt  }
0x50: {  	_ =	shalt  }
0x51: {  	_ =	shalt  }
0x52: {  	_ =	shalt  }
0x53: {  	_ =	shalt  }
0x54: {  	_ =	shalt  }
0x55: {  	_ =	shalt  }
0x56: {  	_ =	shalt  }
0x57: {  	_ =	shalt  }
0x58: {  	_ =	shalt  }
0x59: {  	_ =	shalt  }
0x5a: {  	_ =	shalt  }
0x5b: {  	_ =	shalt  }
0x5c: {  	_ =	shalt  }
0x5d: {  	_ =	shalt  }
0x5e: {  	_ =	shalt  }
0x5f: {  	_ =	shalt  }
0x60: {  	_ =	shalt  }
0x61: {  	_ =	shalt  }
0x62: {  	_ =	shalt  }
0x63: {  	_ =	shalt  }
0x64: {  	_ =	shalt  }
0x65: {  	_ =	shalt  }
0x66: {  	_ =	shalt  }
0x67: {  	_ =	shalt  }
0x68: {  	_ =	shalt  }
0x69: {  	_ =	shalt  }
0x6a: {  	_ =	shalt  }
0x6b: {  	_ =	shalt  }
0x6c: {  	_ =	shalt  }
0x6d: {  	_ =	shalt  }
0x6e: {  	_ =	shalt  }
0x6f: {  	_ =	shalt  }
0x70: {  	_ =	shalt  }
0x71: {  	_ =	shalt  }
0x72: {  	_ =	shalt  }
0x73: {  	_ =	shalt  }
0x74: {  	_ =	shalt  }
0x75: {  	_ =	shalt  }
0x76: {  	_ =	shalt  }
0x77: {  	_ =	shalt  }
0x78: {  	_ =	shalt  }
0x79: {  	_ =	shalt  }
0x7a: {  	_ =	shalt  }
0x7b: {  	_ =	shalt  }
0x7c: {  	_ =	shalt  }
0x7d: {  	_ =	shalt  }
0x7e: {  	_ =	shalt  }
0x7f: {  	_ =	shalt  }
0x80: {  	_ =	shalt  }
0x81: {  	_ =	shalt  }
0x82: {  	_ =	shalt  }
0x83: {  	_ =	shalt  }
0x84: {  	_ =	shalt  }
0x85: {  	_ =	shalt  }
0x86: {  	_ =	shalt  }
0x87: {  	_ =	shalt  }
.Lfunc_end0:
.L_simem_size_0:
called_computation_lowered:
.L_overlay_start_0:
0x88: {  	s2 =	sld [smem:$0x3FD9]  }
0x89: {  	s3 =	sld [smem:$0x3FFE];
	_ =	sdelay $0x1  }
0x8a: {  	s1 =	srdreg.scid  }
0x8b: {  	s0 =	sand.u32 $0x1, s1  }
0x8c: {  	s17 =	sshll.u32 s0, $0xA;
	s2 =	sadd.s32 s3, s2  }
0x8d: {  	s2 =	sadd.s32 s2, s17  }
0x8e: {  	[smem:$0x3FC6] =	sst s2  }
0x8f: {  	_ = 	snop  }
0x90: {  	s2 =	sld [smem:$0x3FC8]  }
0x91: {  	s18 =	sld [smem:$0x3FD0];
	(tm) =	ssettm $0x1  }
0x92: {  	s4 =	sld [smem:$0x3FFB];
	_ =	sdelay $0x3  }
0x93: {  	_ =	strace s4  }
0x94: {  	s4 =	sld [smem:$0x3FFC];
	_ =	sdelay $0x3  }
0x95: {  	_ =	strace s4  }
0x96: {  	s4 =	sld [smem:$0x3FFD];
	_ =	sdelay $0x3  }
0x97: {  	_ =	strace s4  }
0x98: {  	_ =	strace $0x8FFFFFFF  }
0x99: {  	s19 =	sld [smem:$0x3FDB];
	_ =	sdelay $0x1  }
0x9a: {  	s5 =	simm.s32 $_scs_section_size  }
0x9b: {  	s6 =	simm.s32 $_size__tile_overlayer_lowered;
	s7 =	simm.s32 $_tile_overlayer_lowered  }
0x9c: {  	s22 =	simm.s32 $0x1BFF;
	s21 =	sshll.u32 s7, $0x1;
	s4 =	sadd.s32 s5, s19  }
0x9d: {  	s8 =	simm.s32 $0x0;
	s20 =	sshll.u32 s6, $0x1;
	s6 =	sadd.s32 s21, s4  }
0x9e: {  	[timem:s8], [sflag:s22] =	dma.local [hbm:s6], s20  }
0x9f: {  	_ =	swait.ge [sflag:s22], s20  }
0xa0: {  	s5 =	ssub.s32 $0x0, s20;
	[sflag:s22] =	ssyncset.done $0x0  }
0xa1: {  	[sflag:s22] =	ssyncadd.s32 s5;
	_ =	sdelay $0x1  }
0xa2: {  	s23 =	simm.s32 $0x1B8B  }
0xa3: {  	_ =	swait.ge [sflag:s23], $0x1  }
0xa4: {  	[sflag:s23] =	ssyncset.done $0x0  }
0xa5: {  	s25 =	simm.s32 $0x1B8E;
	s24 =	sld [smem:$0x3FFE];
	[sflag:s23] =	ssyncadd.s32 $0xFFFFFFFF  }
0xa6: {  	s26 =	simm.s32 $execute0_lowered;
	[smem:$0x3FD2] =	sst s25  }
0xa7: {  	s6 =	sshll.u32 s26, $0x1;
	_ =	strace $0x80000046;
	[dreg:$0x1] =	wrdreg $0xFFFFFFFF  }
0xa8: {  	s28 =	simm.s32 $_size_execute0_lowered;
	s4 =	sadd.s32 s4, s6;
	[dreg:$0x0] =	wrdreg $0x0  }
0xa9: {  	s6 =	sshll.u32 s28, $0x1;
	[dreg:$0x2] =	wrdreg s4  }
0xaa: {  	[dreg:$0x3] =	wrdreg s6  }
0xab: {  	[dreg:$0x4] =	wrdreg $0xC0  }
0xac: {  	_ =	task [dreg:s8], $0x5FFFF  }
0xad: {  	[dreg:$0x1] =	wrdreg $0xFFFFFFFF  }
0xae: {  	[dreg:$0x0] =	wrdreg $0x60  }
0xaf: {  	[dreg:$0x2] =	wrdreg s24  }
0xb0: {  	[dreg:$0x3] =	wrdreg s2  }
0xb1: {  	[dreg:$0x4] =	wrdreg s18  }
0xb2: {  	[dreg:$0x5] =	wrdreg $0x9  }
0xb3: {  	_ =	task.clear_ibuf [dreg:s8], $0x6FFFF;
	_ =	strace $0x90000046  }
0xb4: {  	s29 =	simm.s32 $0x9;
	_ =	strace $0x80000048  }
0xb5: {  	_ =	swait.ge [sflag:s29], $0x1  }
0xb6: {  	[sflag:s29] =	ssyncadd.s32 $0xFFFFFFFF  }
0xb7: {  	_ =	strace $0x90000048  }
0xb8: {  	_ =	sfence  }
0xb9: {  	s30 =	sld [smem:$0x0];
	_ =	sdelay $0x2  }
0xba: {  	s31 =	sshll.u32 s1, $0xD;
	s1 =	sshrl.u32 s1, $0x2  }
0xbb: {  	s3 =	sand.u32 $0x4000, s31;
	s1 =	sadd.s32 s1, s30  }
0xbc: {  	s0 =	sor.u32 s3, s0;
	s1 =	sshll.u32 s1, $0x11  }
0xbd: {  	s0 =	sor.u32 s1, s0  }
0xbe: {  	s0 =	sadd.s32 $0x8F2B, s0  }
0xbf: {  	[sflag:s0] =	ssyncadd.remote.s32 $0x1  }
0xc0: {  	_ =	sfence.sel $0xFFFF  }
0xc1: {  	[dreg:$0x0] =	wrdreg $0xFFFFFFFF;
	(pc) =	sbr.abs _section_cstart, $3  }
0xc2: {  	[dreg:$0x1] =	wrdreg $0xFFFFFFFF  }
0xc3: {  	_ =	task.clear_ibuf [dreg:s8], $0x2FFFF;
	_ =	strace $0x9FFFFFFF  }
0xc4: {  	(tm) =	ssettm $0x7FFFFFFF  }
0xc5: {  	_ =	shalt  }
tec
execute0_lowered:
.L_overlay_start_1:
0x0: {  	(tag) =	ssettag $0x1  }
0x1: {  	s7 =	rddreg [dreg:$0x0]  }
0x2: {  	s1 =	srdreg.scid;
	s2 =	rddreg [dreg:$0x1]  }
0x3: {  	s0 =	stileid.u32;
	s3 =	rddreg [dreg:$0x2]  }
0x4: {  	s5 =	simm.s32 $0x0;
	s12 =	simm.s32 $0x7;
	s13 =	simm.s32 $0x100  }
0x5: {  	s14 =	simm.s32 $0x6400;
	s15 =	simm.s32 $0xE400;
	s16 =	simm.s32 $0x1  }
0x6: {  	s17 =	simm.s32 $0x16400;
	s18 =	simm.s32 $0x2;
	s19 =	simm.s32 $0x4  }
0x7: {  	s20 =	simm.s32 $0x3;
	s8 =	sand.u32 $0x1, s1;
	s30 =	sshll.u32 s0, $0x1  }
0x8: {  	s21 =	simm.s32 $0x5;
	s22 =	simm.s32 $0x6;
	s6 =	sor.u32 s8, s30  }
0x9: {  	s23 =	simm.s32 $0x0;
	s8 =	ssub.s32 $0x2, s8;
	s4 =	smul.u32 $0x6400, s6  }
0xa: {  	[smem:$0x7FF] =	sst s5;
	s6 =	smul.u32 $0x320000, s6;
	s10 =	sshrl.u32 s8, $0x1  }
0xb: {  	s1 =	rddreg [dreg:$0x3];
	_ =	strace $0x80000047;
	s10 =	ssub.s32 s8, s10  }
0xc: {  	s9 =	sshrl.u32 s4, $0x3;
	s11 =	sshrl.u32 s6, $0x3;
	s10 =	smax.u32 s10, $0x1  }
0xd: {  	s9 =	sadd.s32 s9, s7;
	s7 =	sadd.s32 $0x19400, s7;
	s31 =	sadd.s32 s3, s11  }
0xe: {  	s11 =	simm.s32 $0x1E400;
	s8 =	sadd.s32 $0x400, s9;
	s9 =	sadd.s32 $0x63000, s31  }
.LBB2_1:
0xf: {  	[tilespmem:s11], [sflag:$0x7] =	stream.linear.gather [hbm4b:s7+s5], $0x1, $0x38;
	[tilespmem:$0x1E480] =	vst v63  }
0x10: {  	_ =	swait.ge [sflag:s12], $0x1  }
0x11: {  	[sflag:s12] =	ssyncset.done $0x0  }
0x12: {  	[sflag:s12] =	ssyncadd.s32 $0xFFFFFFFF  }
0x13: {  	v0 =	vld.msk [tilespmem:$0x1E400 ss:$0x0], $0xffff;
	[tilespmem:s5], [sflag:$0x7] =	stream.linear.gather [hbm4b:s8+s5], $0x6400, $0x38  }
0x14: {  	_ =	swait.ge [sflag:s12], $0x6400  }
0x15: {  	[sflag:s12] =	ssyncset.done $0x0  }
0x16: {  	s24 =	simm.s32 $0x0;
	[sflag:s12] =	ssyncadd.s32 $0xFFFF9C00  }
0x17: {  	[tilespmem:s14], [sflag:$0x1] =	stream.indirect.gather [hbm4b:s2+s13], $0x80, s5, s13, $0xb8;
	[tilespmem:$0x1E480] =	vst v63  }
.LBB2_2:
0x18: {  	s26 =	smul.u32 $0x3, s24;
	p0 =	seq.s32 s24, $0x0  }
0x19: {  	s28 =	simm.s32 @!p0 $0x5  }
0x1a: {  	_ =	swait.ge @!p0 [sflag:s28], $0x8000;
	s25 =	sadd.s32 $0x1, s26  }
0x1b: {  	[sflag:s28] =	ssyncset.done @!p0 $0x0;
	s29 =	sshll.u32 s25, $0x8  }
0x1c: {  	[sflag:s28] =	ssyncadd.s32 @!p0 $0xFFFF8000;
	s28 =	sand.u32 $0x3FFFFF00, s29  }
0x1d: {  	[tilespmem:s15], [sflag:$0x2] =	stream.indirect.gather [hbm4b:s2+s13], $0x80, s28, s13, $0xb8;
	[tilespmem:$0x1E480] =	vst v63  }
0x1e: {  	_ =	swait.ge [sflag:s16], $0x8000  }
0x1f: {  	[sflag:s16] =	ssyncset.done $0x0  }
0x20: {  	s28 =	simm.s32 $0x6480;
	[sflag:s16] =	ssyncadd.s32 $0xFFFF8000  }
0x21: {  	v1 =	vld [tilespmem:s28+$0xFFFFFF80]  }
0x22: {  	v2 =	vld [tilespmem:s28+$0xFFFFFF90]  }
0x23: {  	v3 =	vld [tilespmem:s28+$0xFFFFFFA0]  }
0x24: {  	v4 =	vld [tilespmem:s28+$0xFFFFFFB0]  }
0x25: {  	v5 =	vld [tilespmem:s28+$0xFFFFFFC0]  }
0x26: {  	v6 =	vld [tilespmem:s28+$0xFFFFFFD0];
	v1 =	vmul.f32 v1, v0  }
0x27: {  	v7 =	vld [tilespmem:s28+$0xFFFFFFE0];
	v2 =	vmul.f32 v2, v0  }
0x28: {  	[tilespmem:s28+$0xFFFFFF80] =	vst v1;
	v1 =	vmul.f32 v3, v0;
	v3 =	vld [tilespmem:s28+$0x0]  }
0x29: {  	[tilespmem:s28+$0xFFFFFF90] =	vst v2;
	v2 =	vmul.f32 v4, v0;
	v4 =	vld [tilespmem:s28+$0x10]  }
0x2a: {  	[tilespmem:s28+$0xFFFFFFA0] =	vst v1;
	v1 =	vmul.f32 v5, v0;
	v5 =	vld [tilespmem:s28+$0x20]  }
0x2b: {  	v8 =	vld [tilespmem:s28+$0x30];
	[tilespmem:s28+$0xFFFFFFB0] =	vst v2;
	v2 =	vmul.f32 v6, v0  }
0x2c: {  	v6 =	vmul.f32 v7, v0;
	[tilespmem:s28+$0xFFFFFFC0] =	vst v1;
	v1 =	vld [tilespmem:s28+$0x40]  }
0x2d: {  	[tilespmem:s28+$0xFFFFFFD0] =	vst v2;
	v2 =	vmul.f32 v3, v0;
	v3 =	vld [tilespmem:s28+$0x50]  }
0x2e: {  	[tilespmem:s28+$0xFFFFFFE0] =	vst v6;
	v7 =	vmul.f32 v4, v0;
	v4 =	vld [tilespmem:s28+$0x60]  }
0x2f: {  	[tilespmem:s28+$0x0] =	vst v2;
	v6 =	vmul.f32 v5, v0;
	v5 =	vld [tilespmem:s28+$0x70]  }
0x30: {  	s30 =	simm.s32 $0x6580;
	s29 =	simm.s32 $0x0;
	v2 =	vld [tilespmem:s28+$0xFFFFFFF0];
	[tilespmem:s28+$0x10] =	vst v7;
	v7 =	vmul.f32 v8, v0  }
.LBB2_3:
0x31: {  	v8 =	vld [tilespmem:s30+$0xFFFFFF80];
	[tilespmem:s28+$0x20] =	vst v6;
	v1 =	vmul.f32 v1, v0  }
0x32: {  	v6 =	vld [tilespmem:s30+$0xFFFFFF90];
	[tilespmem:s28+$0x30] =	vst v7;
	v3 =	vmul.f32 v3, v0  }
0x33: {  	v7 =	vld [tilespmem:s30+$0xFFFFFFA0];
	[tilespmem:s28+$0x40] =	vst v1;
	v1 =	vmul.f32 v4, v0  }
0x34: {  	v4 =	vld [tilespmem:s30+$0xFFFFFFB0];
	[tilespmem:s28+$0x50] =	vst v3;
	v3 =	vmul.f32 v5, v0  }
0x35: {  	v5 =	vld [tilespmem:s30+$0xFFFFFFC0];
	v2 =	vmul.f32 v2, v0;
	[tilespmem:s28+$0x60] =	vst v1  }
0x36: {  	v1 =	vmul.f32 v8, v0;
	v8 =	vld [tilespmem:s30+$0xFFFFFFD0];
	[tilespmem:s28+$0x70] =	vst v3  }
0x37: {  	v3 =	vmul.f32 v6, v0;
	v6 =	vld [tilespmem:s30+$0xFFFFFFE0];
	[tilespmem:s28+$0xFFFFFFF0] =	vst v2;
	s28 =	smov.u32 s30  }
0x38: {  	[tilespmem:s30+$0xFFFFFF80] =	vst v1;
	v1 =	vmul.f32 v7, v0;
	v2 =	vld [tilespmem:s30+$0x0]  }
0x39: {  	[tilespmem:s30+$0xFFFFFF90] =	vst v3;
	v3 =	vmul.f32 v4, v0;
	v4 =	vld [tilespmem:s30+$0x10]  }
0x3a: {  	s29 =	sadd.s32 $0x2, s29;
	[tilespmem:s30+$0xFFFFFFA0] =	vst v1;
	v1 =	vmul.f32 v5, v0;
	v5 =	vld [tilespmem:s30+$0x20]  }
0x3b: {  	p1 =	slt.u32 s29, $0xFE;
	[tilespmem:s30+$0xFFFFFFB0] =	vst v3;
	v3 =	vmul.f32 v8, v0;
	v7 =	vld [tilespmem:s30+$0x30]  }
.Ltmp0:
0x3c: {  	[tilespmem:s30+$0xFFFFFFC0] =	vst v1;
	v6 =	vmul.f32 v6, v0;
	v1 =	vld [tilespmem:s30+$0x40];
	(pc) =	sbr.rel @p1 .LBB2_3-.Ltmp0, $4  }
0x3d: {  	[tilespmem:s30+$0xFFFFFFD0] =	vst v3;
	v2 =	vmul.f32 v2, v0;
	v3 =	vld [tilespmem:s30+$0x50]  }
0x3e: {  	[tilespmem:s30+$0xFFFFFFE0] =	vst v6;
	v8 =	vmul.f32 v4, v0;
	v4 =	vld [tilespmem:s30+$0x60]  }
0x3f: {  	[tilespmem:s30+$0x0] =	vst v2;
	v6 =	vmul.f32 v5, v0;
	v5 =	vld [tilespmem:s30+$0x70]  }
0x40: {  	s30 =	sadd.s32 $0x100, s30;
	v2 =	vld [tilespmem:s28+$0xFFFFFFF0];
	[tilespmem:s28+$0x10] =	vst v8;
	v7 =	vmul.f32 v7, v0  }
0x41: {  	[tilespmem:s28+$0x20] =	vst v6;
	v1 =	vmul.f32 v1, v0  }
0x42: {  	[tilespmem:s28+$0x30] =	vst v7;
	v3 =	vmul.f32 v3, v0  }
0x43: {  	s29 =	smul.u32 $0x300, s24;
	[tilespmem:s28+$0x40] =	vst v1;
	v1 =	vmul.f32 v4, v0  }
0x44: {  	[tilespmem:s28+$0x50] =	vst v3;
	v3 =	vmul.f32 v5, v0  }
0x45: {  	s29 =	sadd.s32 s4, s29;
	v2 =	vmul.f32 v2, v0;
	[tilespmem:s28+$0x60] =	vst v1  }
0x46: {  	s29 =	sshll.u32 s29, $0x4;
	[tilespmem:s28+$0x70] =	vst v3  }
0x47: {  	[tilespmem:s28+$0xFFFFFFF0] =	vst v2;
	s28 =	sadd.s32 s3, s29  }
0x48: {  	[hbm4b:s28+s5] =	stream.linear.scatter [tilespmem:s14], [sflag:$0x4], $0x8000, $0x38;
	[tilespmem:$0x1E480] =	vst v63  }
0x49: {  	s28 =	simm.s32 @!p0 $0x6  }
0x4a: {  	s26 =	sadd.s32 $0x2, s26;
	_ =	swait.ge @!p0 [sflag:s28], $0x8000  }
0x4b: {  	s29 =	sshll.u32 s26, $0x8;
	[sflag:s28] =	ssyncset.done @!p0 $0x0  }
0x4c: {  	[sflag:s28] =	ssyncadd.s32 @!p0 $0xFFFF8000;
	s28 =	sand.u32 $0x3FFFFF00, s29  }
0x4d: {  	[tilespmem:s17], [sflag:$0x3] =	stream.indirect.gather [hbm4b:s2+s13], $0x80, s28, s13, $0xb8;
	[tilespmem:$0x1E480] =	vst v63  }
0x4e: {  	_ =	swait.ge [sflag:s18], $0x8000  }
0x4f: {  	[sflag:s18] =	ssyncset.done $0x0  }
0x50: {  	s28 =	simm.s32 $0xE480;
	[sflag:s18] =	ssyncadd.s32 $0xFFFF8000  }
0x51: {  	v1 =	vld [tilespmem:s28+$0xFFFFFF80]  }
0x52: {  	v2 =	vld [tilespmem:s28+$0xFFFFFF90]  }
0x53: {  	v3 =	vld [tilespmem:s28+$0xFFFFFFA0]  }
0x54: {  	v4 =	vld [tilespmem:s28+$0xFFFFFFB0]  }
0x55: {  	v5 =	vld [tilespmem:s28+$0xFFFFFFC0]  }
0x56: {  	v6 =	vld [tilespmem:s28+$0xFFFFFFD0];
	v1 =	vmul.f32 v1, v0  }
0x57: {  	v7 =	vld [tilespmem:s28+$0xFFFFFFE0];
	v2 =	vmul.f32 v2, v0  }
0x58: {  	[tilespmem:s28+$0xFFFFFF80] =	vst v1;
	v1 =	vmul.f32 v3, v0;
	v3 =	vld [tilespmem:s28+$0x0]  }
0x59: {  	[tilespmem:s28+$0xFFFFFF90] =	vst v2;
	v2 =	vmul.f32 v4, v0;
	v4 =	vld [tilespmem:s28+$0x10]  }
0x5a: {  	[tilespmem:s28+$0xFFFFFFA0] =	vst v1;
	v1 =	vmul.f32 v5, v0;
	v5 =	vld [tilespmem:s28+$0x20]  }
0x5b: {  	v8 =	vld [tilespmem:s28+$0x30];
	[tilespmem:s28+$0xFFFFFFB0] =	vst v2;
	v2 =	vmul.f32 v6, v0  }
0x5c: {  	v6 =	vmul.f32 v7, v0;
	[tilespmem:s28+$0xFFFFFFC0] =	vst v1;
	v1 =	vld [tilespmem:s28+$0x40]  }
0x5d: {  	[tilespmem:s28+$0xFFFFFFD0] =	vst v2;
	v2 =	vmul.f32 v3, v0;
	v3 =	vld [tilespmem:s28+$0x50]  }
0x5e: {  	[tilespmem:s28+$0xFFFFFFE0] =	vst v6;
	v7 =	vmul.f32 v4, v0;
	v4 =	vld [tilespmem:s28+$0x60]  }
0x5f: {  	[tilespmem:s28+$0x0] =	vst v2;
	v6 =	vmul.f32 v5, v0;
	v5 =	vld [tilespmem:s28+$0x70]  }
0x60: {  	s30 =	simm.s32 $0xE580;
	s29 =	simm.s32 $0x0;
	v2 =	vld [tilespmem:s28+$0xFFFFFFF0];
	[tilespmem:s28+$0x10] =	vst v7;
	v7 =	vmul.f32 v8, v0  }
.LBB2_5:
0x61: {  	v8 =	vld [tilespmem:s30+$0xFFFFFF80];
	[tilespmem:s28+$0x20] =	vst v6;
	v1 =	vmul.f32 v1, v0  }
0x62: {  	v6 =	vld [tilespmem:s30+$0xFFFFFF90];
	[tilespmem:s28+$0x30] =	vst v7;
	v3 =	vmul.f32 v3, v0  }
0x63: {  	v7 =	vld [tilespmem:s30+$0xFFFFFFA0];
	[tilespmem:s28+$0x40] =	vst v1;
	v1 =	vmul.f32 v4, v0  }
0x64: {  	v4 =	vld [tilespmem:s30+$0xFFFFFFB0];
	[tilespmem:s28+$0x50] =	vst v3;
	v3 =	vmul.f32 v5, v0  }
0x65: {  	v5 =	vld [tilespmem:s30+$0xFFFFFFC0];
	v2 =	vmul.f32 v2, v0;
	[tilespmem:s28+$0x60] =	vst v1  }
0x66: {  	v1 =	vmul.f32 v8, v0;
	v8 =	vld [tilespmem:s30+$0xFFFFFFD0];
	[tilespmem:s28+$0x70] =	vst v3  }
0x67: {  	v3 =	vmul.f32 v6, v0;
	v6 =	vld [tilespmem:s30+$0xFFFFFFE0];
	[tilespmem:s28+$0xFFFFFFF0] =	vst v2;
	s28 =	smov.u32 s30  }
0x68: {  	[tilespmem:s30+$0xFFFFFF80] =	vst v1;
	v1 =	vmul.f32 v7, v0;
	v2 =	vld [tilespmem:s30+$0x0]  }
0x69: {  	[tilespmem:s30+$0xFFFFFF90] =	vst v3;
	v3 =	vmul.f32 v4, v0;
	v4 =	vld [tilespmem:s30+$0x10]  }
0x6a: {  	s29 =	sadd.s32 $0x2, s29;
	[tilespmem:s30+$0xFFFFFFA0] =	vst v1;
	v1 =	vmul.f32 v5, v0;
	v5 =	vld [tilespmem:s30+$0x20]  }
0x6b: {  	p0 =	slt.u32 s29, $0xFE;
	[tilespmem:s30+$0xFFFFFFB0] =	vst v3;
	v3 =	vmul.f32 v8, v0;
	v7 =	vld [tilespmem:s30+$0x30]  }
.Ltmp1:
0x6c: {  	[tilespmem:s30+$0xFFFFFFC0] =	vst v1;
	v6 =	vmul.f32 v6, v0;
	v1 =	vld [tilespmem:s30+$0x40];
	(pc) =	sbr.rel @p0 .LBB2_5-.Ltmp1, $4  }
0x6d: {  	[tilespmem:s30+$0xFFFFFFD0] =	vst v3;
	v2 =	vmul.f32 v2, v0;
	v3 =	vld [tilespmem:s30+$0x50]  }
0x6e: {  	[tilespmem:s30+$0xFFFFFFE0] =	vst v6;
	v8 =	vmul.f32 v4, v0;
	v4 =	vld [tilespmem:s30+$0x60]  }
0x6f: {  	[tilespmem:s30+$0x0] =	vst v2;
	v6 =	vmul.f32 v5, v0;
	v5 =	vld [tilespmem:s30+$0x70]  }
0x70: {  	s30 =	sadd.s32 $0x100, s30;
	v2 =	vld [tilespmem:s28+$0xFFFFFFF0];
	[tilespmem:s28+$0x10] =	vst v8;
	v7 =	vmul.f32 v7, v0  }
0x71: {  	[tilespmem:s28+$0x20] =	vst v6;
	v1 =	vmul.f32 v1, v0  }
0x72: {  	[tilespmem:s28+$0x30] =	vst v7;
	v3 =	vmul.f32 v3, v0  }
0x73: {  	[tilespmem:s28+$0x40] =	vst v1;
	v1 =	vmul.f32 v4, v0  }
0x74: {  	s25 =	sshll.u32 s25, $0xF;
	[tilespmem:s28+$0x50] =	vst v3;
	v3 =	vmul.f32 v5, v0  }
0x75: {  	s25 =	sadd.s32 s6, s25;
	v2 =	vmul.f32 v2, v0;
	[tilespmem:s28+$0x60] =	vst v1  }
0x76: {  	s25 =	sshrl.u32 s25, $0x3;
	[tilespmem:s28+$0x70] =	vst v3  }
0x77: {  	s31 =	smul.u32 $0xC00, s24;
	s25 =	sadd.s32 s3, s25;
	[tilespmem:s28+$0xFFFFFFF0] =	vst v2  }
0x78: {  	[hbm4b:s25+s5] =	stream.linear.scatter [tilespmem:s15], [sflag:$0x5], $0x8000, $0x38;
	[tilespmem:$0x1E480] =	vst v63  }
0x79: {  	_ =	swait.ge [sflag:s19], $0x8000  }
0x7a: {  	s25 =	sshra.s32 s31, $0x2;
	[sflag:s19] =	ssyncset.done $0x0  }
0x7b: {  	s25 =	sadd.s32 $0x300, s25;
	[sflag:s19] =	ssyncadd.s32 $0xFFFF8000  }
0x7c: {  	[tilespmem:s14], [sflag:$0x1] =	stream.indirect.gather [hbm4b:s2+s13], $0x80, s25, s13, $0xb8;
	[tilespmem:$0x1E480] =	vst v63  }
0x7d: {  	_ =	swait.ge [sflag:s20], $0x8000  }
0x7e: {  	[sflag:s20] =	ssyncset.done $0x0  }
0x7f: {  	s25 =	simm.s32 $0x16480;
	[sflag:s20] =	ssyncadd.s32 $0xFFFF8000  }
0x80: {  	v1 =	vld [tilespmem:s25+$0xFFFFFF80]  }
0x81: {  	v2 =	vld [tilespmem:s25+$0xFFFFFF90]  }
0x82: {  	v3 =	vld [tilespmem:s25+$0xFFFFFFA0]  }
0x83: {  	v4 =	vld [tilespmem:s25+$0xFFFFFFB0]  }
0x84: {  	v5 =	vld [tilespmem:s25+$0xFFFFFFC0]  }
0x85: {  	v6 =	vld [tilespmem:s25+$0xFFFFFFD0];
	v1 =	vmul.f32 v1, v0  }
0x86: {  	v7 =	vld [tilespmem:s25+$0xFFFFFFE0];
	v2 =	vmul.f32 v2, v0  }
0x87: {  	[tilespmem:s25+$0xFFFFFF80] =	vst v1;
	v1 =	vmul.f32 v3, v0;
	v3 =	vld [tilespmem:s25+$0x0]  }
0x88: {  	[tilespmem:s25+$0xFFFFFF90] =	vst v2;
	v2 =	vmul.f32 v4, v0;
	v4 =	vld [tilespmem:s25+$0x10]  }
0x89: {  	[tilespmem:s25+$0xFFFFFFA0] =	vst v1;
	v1 =	vmul.f32 v5, v0;
	v5 =	vld [tilespmem:s25+$0x20]  }
0x8a: {  	v8 =	vld [tilespmem:s25+$0x30];
	[tilespmem:s25+$0xFFFFFFB0] =	vst v2;
	v2 =	vmul.f32 v6, v0  }
0x8b: {  	v6 =	vmul.f32 v7, v0;
	[tilespmem:s25+$0xFFFFFFC0] =	vst v1;
	v1 =	vld [tilespmem:s25+$0x40]  }
0x8c: {  	[tilespmem:s25+$0xFFFFFFD0] =	vst v2;
	v2 =	vmul.f32 v3, v0;
	v3 =	vld [tilespmem:s25+$0x50]  }
0x8d: {  	[tilespmem:s25+$0xFFFFFFE0] =	vst v6;
	v7 =	vmul.f32 v4, v0;
	v4 =	vld [tilespmem:s25+$0x60]  }
0x8e: {  	[tilespmem:s25+$0x0] =	vst v2;
	v6 =	vmul.f32 v5, v0;
	v5 =	vld [tilespmem:s25+$0x70]  }
0x8f: {  	s29 =	simm.s32 $0x16580;
	s28 =	simm.s32 $0x0;
	v2 =	vld [tilespmem:s25+$0xFFFFFFF0];
	[tilespmem:s25+$0x10] =	vst v7;
	v7 =	vmul.f32 v8, v0  }
.LBB2_7:
0x90: {  	v8 =	vld [tilespmem:s29+$0xFFFFFF80];
	[tilespmem:s25+$0x20] =	vst v6;
	v1 =	vmul.f32 v1, v0  }
0x91: {  	v6 =	vld [tilespmem:s29+$0xFFFFFF90];
	[tilespmem:s25+$0x30] =	vst v7;
	v3 =	vmul.f32 v3, v0  }
0x92: {  	v7 =	vld [tilespmem:s29+$0xFFFFFFA0];
	[tilespmem:s25+$0x40] =	vst v1;
	v1 =	vmul.f32 v4, v0  }
0x93: {  	v4 =	vld [tilespmem:s29+$0xFFFFFFB0];
	[tilespmem:s25+$0x50] =	vst v3;
	v3 =	vmul.f32 v5, v0  }
0x94: {  	v5 =	vld [tilespmem:s29+$0xFFFFFFC0];
	v2 =	vmul.f32 v2, v0;
	[tilespmem:s25+$0x60] =	vst v1  }
0x95: {  	v1 =	vmul.f32 v8, v0;
	v8 =	vld [tilespmem:s29+$0xFFFFFFD0];
	[tilespmem:s25+$0x70] =	vst v3  }
0x96: {  	v3 =	vmul.f32 v6, v0;
	v6 =	vld [tilespmem:s29+$0xFFFFFFE0];
	[tilespmem:s25+$0xFFFFFFF0] =	vst v2;
	s25 =	smov.u32 s29  }
0x97: {  	[tilespmem:s29+$0xFFFFFF80] =	vst v1;
	v1 =	vmul.f32 v7, v0;
	v2 =	vld [tilespmem:s29+$0x0]  }
0x98: {  	[tilespmem:s29+$0xFFFFFF90] =	vst v3;
	v3 =	vmul.f32 v4, v0;
	v4 =	vld [tilespmem:s29+$0x10]  }
0x99: {  	s28 =	sadd.s32 $0x2, s28;
	[tilespmem:s29+$0xFFFFFFA0] =	vst v1;
	v1 =	vmul.f32 v5, v0;
	v5 =	vld [tilespmem:s29+$0x20]  }
0x9a: {  	p0 =	slt.u32 s28, $0xFE;
	[tilespmem:s29+$0xFFFFFFB0] =	vst v3;
	v3 =	vmul.f32 v8, v0;
	v7 =	vld [tilespmem:s29+$0x30]  }
.Ltmp2:
0x9b: {  	[tilespmem:s29+$0xFFFFFFC0] =	vst v1;
	v6 =	vmul.f32 v6, v0;
	v1 =	vld [tilespmem:s29+$0x40];
	(pc) =	sbr.rel @p0 .LBB2_7-.Ltmp2, $4  }
0x9c: {  	[tilespmem:s29+$0xFFFFFFD0] =	vst v3;
	v2 =	vmul.f32 v2, v0;
	v3 =	vld [tilespmem:s29+$0x50]  }
0x9d: {  	[tilespmem:s29+$0xFFFFFFE0] =	vst v6;
	v8 =	vmul.f32 v4, v0;
	v4 =	vld [tilespmem:s29+$0x60]  }
0x9e: {  	[tilespmem:s29+$0x0] =	vst v2;
	v6 =	vmul.f32 v5, v0;
	v5 =	vld [tilespmem:s29+$0x70]  }
0x9f: {  	s29 =	sadd.s32 $0x100, s29;
	v2 =	vld [tilespmem:s25+$0xFFFFFFF0];
	[tilespmem:s25+$0x10] =	vst v8;
	v7 =	vmul.f32 v7, v0  }
0xa0: {  	[tilespmem:s25+$0x20] =	vst v6;
	v1 =	vmul.f32 v1, v0  }
0xa1: {  	s24 =	sadd.s32 $0x1, s24;
	[tilespmem:s25+$0x30] =	vst v7;
	v3 =	vmul.f32 v3, v0  }
0xa2: {  	p0 =	sne.s32 s24, $0x21;
	[tilespmem:s25+$0x40] =	vst v1;
	v1 =	vmul.f32 v4, v0  }
.Ltmp3:
0xa3: {  	s26 =	sshll.u32 s26, $0xF;
	[tilespmem:s25+$0x50] =	vst v3;
	v3 =	vmul.f32 v5, v0;
	(pc) =	sbr.rel @p0 .LBB2_2-.Ltmp3, $4  }
0xa4: {  	s26 =	sadd.s32 s6, s26;
	v2 =	vmul.f32 v2, v0;
	[tilespmem:s25+$0x60] =	vst v1  }
0xa5: {  	s26 =	sshrl.u32 s26, $0x3;
	[tilespmem:s25+$0x70] =	vst v3  }
0xa6: {  	s31 =	sadd.s32 s3, s26;
	[tilespmem:s25+$0xFFFFFFF0] =	vst v2  }
0xa7: {  	[hbm4b:s31+s5] =	stream.linear.scatter [tilespmem:s17], [sflag:$0x6], $0x8000, $0x38;
	[tilespmem:$0x1E480] =	vst v63  }
0xa8: {  	_ =	swait.ge [sflag:s21], $0x8000  }
0xa9: {  	[sflag:s21] =	ssyncset.done $0x0  }
0xaa: {  	[sflag:s21] =	ssyncadd.s32 $0xFFFF8000  }
0xab: {  	_ =	swait.ge [sflag:s16], $0x8000  }
0xac: {  	[sflag:s16] =	ssyncset.done $0x0  }
0xad: {  	s24 =	simm.s32 $0x6480;
	[sflag:s16] =	ssyncadd.s32 $0xFFFF8000  }
0xae: {  	v1 =	vld [tilespmem:s24+$0xFFFFFF80]  }
0xaf: {  	v2 =	vld [tilespmem:s24+$0xFFFFFF90]  }
0xb0: {  	v3 =	vld [tilespmem:s24+$0xFFFFFFA0]  }
0xb1: {  	v4 =	vld [tilespmem:s24+$0xFFFFFFB0]  }
0xb2: {  	v5 =	vld [tilespmem:s24+$0xFFFFFFC0]  }
0xb3: {  	v6 =	vld [tilespmem:s24+$0xFFFFFFD0];
	v1 =	vmul.f32 v1, v0  }
0xb4: {  	v7 =	vld [tilespmem:s24+$0xFFFFFFE0];
	v2 =	vmul.f32 v2, v0  }
0xb5: {  	[tilespmem:s24+$0xFFFFFF80] =	vst v1;
	v1 =	vmul.f32 v3, v0;
	v3 =	vld [tilespmem:s24+$0x0]  }
0xb6: {  	[tilespmem:s24+$0xFFFFFF90] =	vst v2;
	v2 =	vmul.f32 v4, v0;
	v4 =	vld [tilespmem:s24+$0x10]  }
0xb7: {  	[tilespmem:s24+$0xFFFFFFA0] =	vst v1;
	v1 =	vmul.f32 v5, v0;
	v5 =	vld [tilespmem:s24+$0x20]  }
0xb8: {  	v8 =	vld [tilespmem:s24+$0x30];
	[tilespmem:s24+$0xFFFFFFB0] =	vst v2;
	v2 =	vmul.f32 v6, v0  }
0xb9: {  	v6 =	vmul.f32 v7, v0;
	[tilespmem:s24+$0xFFFFFFC0] =	vst v1;
	v1 =	vld [tilespmem:s24+$0x40]  }
0xba: {  	[tilespmem:s24+$0xFFFFFFD0] =	vst v2;
	v2 =	vld [tilespmem:s24+$0x50];
	v3 =	vmul.f32 v3, v0  }
0xbb: {  	[tilespmem:s24+$0xFFFFFFE0] =	vst v6;
	v7 =	vmul.f32 v4, v0;
	v4 =	vld [tilespmem:s24+$0x60]  }
0xbc: {  	[tilespmem:s24+$0x0] =	vst v3;
	v6 =	vmul.f32 v5, v0;
	v5 =	vld [tilespmem:s24+$0x70]  }
0xbd: {  	s25 =	simm.s32 $0x0;
	s26 =	simm.s32 $0x6580;
	v3 =	vld [tilespmem:s24+$0xFFFFFFF0];
	[tilespmem:s24+$0x10] =	vst v7;
	v7 =	vmul.f32 v8, v0  }
.LBB2_10:
0xbe: {  	v8 =	vld [tilespmem:s26+$0xFFFFFF80];
	[tilespmem:s24+$0x20] =	vst v6;
	v1 =	vmul.f32 v1, v0  }
0xbf: {  	v6 =	vld [tilespmem:s26+$0xFFFFFF90];
	[tilespmem:s24+$0x30] =	vst v7;
	v2 =	vmul.f32 v2, v0  }
0xc0: {  	v7 =	vld [tilespmem:s26+$0xFFFFFFA0];
	[tilespmem:s24+$0x40] =	vst v1;
	v1 =	vmul.f32 v4, v0  }
0xc1: {  	v4 =	vld [tilespmem:s26+$0xFFFFFFB0];
	[tilespmem:s24+$0x50] =	vst v2;
	v2 =	vmul.f32 v5, v0  }
0xc2: {  	v5 =	vld [tilespmem:s26+$0xFFFFFFC0];
	v3 =	vmul.f32 v3, v0;
	[tilespmem:s24+$0x60] =	vst v1  }
0xc3: {  	v1 =	vmul.f32 v8, v0;
	v8 =	vld [tilespmem:s26+$0xFFFFFFD0];
	[tilespmem:s24+$0x70] =	vst v2  }
0xc4: {  	v2 =	vmul.f32 v6, v0;
	v6 =	vld [tilespmem:s26+$0xFFFFFFE0];
	[tilespmem:s24+$0xFFFFFFF0] =	vst v3;
	s24 =	smov.u32 s26  }
0xc5: {  	[tilespmem:s26+$0xFFFFFF80] =	vst v1;
	v1 =	vmul.f32 v7, v0;
	v3 =	vld [tilespmem:s26+$0x0]  }
0xc6: {  	[tilespmem:s26+$0xFFFFFF90] =	vst v2;
	v2 =	vmul.f32 v4, v0;
	v4 =	vld [tilespmem:s26+$0x10]  }
0xc7: {  	s25 =	sadd.s32 $0x2, s25;
	[tilespmem:s26+$0xFFFFFFA0] =	vst v1;
	v1 =	vmul.f32 v5, v0;
	v5 =	vld [tilespmem:s26+$0x20]  }
0xc8: {  	p0 =	slt.u32 s25, $0xFE;
	[tilespmem:s26+$0xFFFFFFB0] =	vst v2;
	v2 =	vmul.f32 v8, v0;
	v7 =	vld [tilespmem:s26+$0x30]  }
.Ltmp4:
0xc9: {  	[tilespmem:s26+$0xFFFFFFC0] =	vst v1;
	v6 =	vmul.f32 v6, v0;
	v1 =	vld [tilespmem:s26+$0x40];
	(pc) =	sbr.rel @p0 .LBB2_10-.Ltmp4, $4  }
0xca: {  	[tilespmem:s26+$0xFFFFFFD0] =	vst v2;
	v3 =	vmul.f32 v3, v0;
	v2 =	vld [tilespmem:s26+$0x50]  }
0xcb: {  	[tilespmem:s26+$0xFFFFFFE0] =	vst v6;
	v8 =	vmul.f32 v4, v0;
	v4 =	vld [tilespmem:s26+$0x60]  }
0xcc: {  	[tilespmem:s26+$0x0] =	vst v3;
	v6 =	vmul.f32 v5, v0;
	v5 =	vld [tilespmem:s26+$0x70]  }
0xcd: {  	s26 =	sadd.s32 $0x100, s26;
	v3 =	vld [tilespmem:s24+$0xFFFFFFF0];
	[tilespmem:s24+$0x10] =	vst v8;
	v7 =	vmul.f32 v7, v0  }
0xce: {  	[tilespmem:s24+$0x20] =	vst v6;
	v1 =	vmul.f32 v1, v0  }
0xcf: {  	[tilespmem:s24+$0x30] =	vst v7;
	v2 =	vmul.f32 v2, v0  }
0xd0: {  	[tilespmem:s24+$0x40] =	vst v1;
	v61 =	vmul.f32 v4, v0  }
0xd1: {  	[tilespmem:s24+$0x50] =	vst v2;
	v62 =	vmul.f32 v5, v0  }
0xd2: {  	v63 =	vmul.f32 v3, v0;
	[tilespmem:s24+$0x60] =	vst v61  }
0xd3: {  	[tilespmem:s24+$0x70] =	vst v62  }
0xd4: {  	s23 =	sadd.s32 $0x1, s23;
	[tilespmem:s24+$0xFFFFFFF0] =	vst v63  }
0xd5: {  	[hbm4b:s9+s5] =	stream.linear.scatter [tilespmem:s14], [sflag:$0x4], $0x8000, $0x38;
	[tilespmem:$0x1E480] =	vst v63  }
0xd6: {  	p0 =	sne.s32 s23, s10;
	_ =	swait.ge [sflag:s22], $0x8000  }
.Ltmp5:
0xd7: {  	[sflag:s22] =	ssyncset.done $0x0;
	(pc) =	sbr.rel @p0 .LBB2_1-.Ltmp5, $4  }
0xd8: {  	[sflag:s22] =	ssyncadd.s32 $0xFFFF8000  }
0xd9: {  	_ =	swait.ge [sflag:s19], $0x8000  }
0xda: {  	[sflag:s19] =	ssyncset.done $0x0  }
0xdb: {  	[sflag:s19] =	ssyncadd.s32 $0xFFFF8000  }
0xdc: {  	_ =	sfence.sel $0x180000  }
0xdd: {  	[bflag:$0x0] =	sbarrier.arrive $0xFFFF  }
0xde: {  	p0 =	sne.s32 s0, $0x0;
	_ =	strace $0x90000047  }
0xdf: {  	s0 =	sadd.s32 @!p0 $0x100000, s1;
	[bflag:$0x2] =	sbarrier.arrive $0xFFFF  }
0xe0: {  	[sflag:s0] =	ssyncadd.tile.s32 @!p0 $0x1;
	_ =	shalt  }
.Lfunc_end2:
_tile_overlayer_lowered:
.L_overlay_start_2:
0xe1: {  	(tag) =	ssettag $0x2  }
0xe2: {  	s0 =	rddreg [dreg:$0x0];
	s2 =	stileid.u32  }
0xe3: {  	s1 =	rddreg [dreg:$0x1];
	p0 =	sne.s32 s2, $0x0  }
0xe4: {  	s3 =	rddreg [dreg:$0x2];
	[bflag:$0x3] =	sbarrier.arrive $0xFFFF;
	s2 =	simm.s32 @!p0 $0x1C07  }
0xe5: {  	[timem:s3], [sflag:s2] =	dma.local @!p0 [hbm:s0], s1  }
0xe6: {  	s0 =	simm.s32 @!p0 $0x7  }
0xe7: {  	_ =	swait.ge @!p0 [sflag:s0], s1  }
0xe8: {  	s1 =	ssub.s32 @!p0 $0x0, s1;
	[sflag:s0] =	ssyncset.done @!p0 $0x0  }
0xe9: {  	[sflag:s0] =	ssyncadd.s32 @!p0 s1  }
0xea: {  	[bflag:$0x3] =	sbarrier.arrive $0xFFFF  }
0xeb: {  	_ =	shalt  }

</sc_bundles>
